<compile_context>
chip_gen: v7x
topology: tpu7x:2x2x1
jax: 0.10.2.dev20260603
libtpu: 0.0.44.dev20260713+nightly
codegen_flags: <defaults>
</compile_context>

<pallas_src>
import functools

import jax
import jax.numpy as jnp
from jax import lax
from jax.experimental import pallas as pl
from jax.experimental.pallas import tpu as pltpu
from jax.experimental.pallas import tpu_sc as plsc

NUM_WORKERS = 32
NBUF = 4
SUBL = 8


def _mlp_table_body(tab_ref, w1_ref, b1_ref, w2_ref, b2_ref, out_ref):
    x = tab_ref[...]
    h = lax.dot_general(x, w1_ref[...], (((1,), (1,)), ((), ())),
                        preferred_element_type=jnp.float32)
    h = jnp.maximum(h + b1_ref[...], 0.0)
    o = lax.dot_general(h, w2_ref[...], (((1,), (1,)), ((), ())),
                        preferred_element_type=jnp.float32)
    out_ref[...] = o + b2_ref[...]


def _transform_table(table, W1, b1, W2, b2):
    n, d = table.shape
    return pl.pallas_call(
        _mlp_table_body,
        out_shape=jax.ShapeDtypeStruct((n, d), jnp.float32),
    )(table, W1, b1.reshape(1, d), W2, b2.reshape(1, d))


def _make_gather(BI, S, D, N):
    spad = (S + SUBL - 1) // SUBL * SUBL
    i_per_w = BI // NUM_WORKERS
    chunk = 2 * spad
    n_chunks = i_per_w // 2
    n_groups = n_chunks // NBUF
    mesh = plsc.VectorSubcoreMesh(core_axis_name="c", subcore_axis_name="s")

    @functools.partial(
        pl.kernel,
        mesh=mesh,
        out_type=jax.ShapeDtypeStruct((BI, S, D), jnp.float32),
        scratch_types=[
            pltpu.VMEM((i_per_w * spad,), jnp.int32),
            pltpu.VMEM((NBUF, chunk, D), jnp.float32),
            pltpu.VMEM_SHARED((N, D), jnp.float32),
            [pltpu.SemaphoreType.DMA] * NBUF,
            [pltpu.SemaphoreType.DMA] * NBUF,
        ],
        compiler_params=pltpu.CompilerParams(use_tc_tiling_on_sc=True),
    )
    def gather_kernel(tab_hbm, idxp_hbm, out_hbm, idx_v, rows, tab_sh,
                      gsems, ssems):
        wid = lax.axis_index("s") * 2 + lax.axis_index("c")
        ibase = wid * i_per_w

        @pl.when(lax.axis_index("s") == 0)
        def _stage():
            pltpu.sync_copy(tab_hbm, tab_sh)

        pltpu.sync_copy(
            idxp_hbm.at[pl.ds(ibase * spad, i_per_w * spad)], idx_v)
        plsc.subcore_barrier()

        def start_gather(c, j):
            pltpu.async_copy(
                tab_sh.at[idx_v.at[pl.ds(c * chunk, chunk)]], rows.at[j],
                gsems[j])

        def wait_gather(j):
            pltpu.make_async_copy(
                tab_sh.at[idx_v.at[pl.ds(0, chunk)]], rows.at[j],
                gsems[j]).wait()

        def start_store(c, j):
            i0 = ibase + 2 * c
            pltpu.async_copy(
                rows.at[j].at[pl.ds(0, S)], out_hbm.at[i0], ssems[j])
            pltpu.async_copy(
                rows.at[j].at[pl.ds(spad, S)], out_hbm.at[i0 + 1], ssems[j])

        def wait_store(j):
            pltpu.make_async_copy(
                rows.at[j].at[pl.ds(0, S)], out_hbm.at[ibase], ssems[j]).wait()
            pltpu.make_async_copy(
                rows.at[j].at[pl.ds(spad, S)], out_hbm.at[ibase],
                ssems[j]).wait()

        for j in range(NBUF):
            start_gather(j, j)

        def body(g, carry):
            c0 = g * NBUF
            for j in range(NBUF):
                wait_gather(j)
                start_store(c0 + j, j)
            for j in range(NBUF):
                wait_store(j)
                start_gather(c0 + NBUF + j, j)
            return carry

        lax.fori_loop(0, n_groups - 1, body, 0)

        c0 = (n_groups - 1) * NBUF
        for j in range(NBUF):
            wait_gather(j)
            start_store(c0 + j, j)
        for j in range(NBUF):
            wait_store(j)

    return gather_kernel


def kernel(candidate_news_topicindex, table, W1, b1, W2, b2):
    bsz, seq = candidate_news_topicindex.shape
    n, d = table.shape
    spad = (seq + SUBL - 1) // SUBL * SUBL
    idx32 = candidate_news_topicindex.astype(jnp.int32)
    idx_pad = jnp.pad(idx32, ((0, 0), (0, spad - seq))).reshape(-1)
    tab_t = _transform_table(table, W1, b1, W2, b2)
    return _make_gather(bsz, seq, d, n)(tab_t, idx_pad)

# --- scband reference (transcript-rebuilt; emitter-appended) ---
"""Pipeline reference for scband-topic-encoder-90941637525989 (READ-ONLY COPY).

The authoritative reference and input builder live on the scoring server;
editing this copy changes nothing except your own understanding.
"""

import jax, jax.numpy as jnp
import numpy as np

NUM_CATEGORIES = 312
REDUCTION_DIM = 128

def setup_inputs(seed: int = 0) -> dict:
    key = jax.random.key(seed)
    k_idx, k_tab, k_w1, k_b1, k_w2, k_b2 = jax.random.split(key, 6)
    candidate_news_topicindex = jax.random.randint(k_idx, (16384, 50), 0, NUM_CATEGORIES, dtype=jnp.int64)
    table = jax.random.normal(k_tab, (NUM_CATEGORIES, REDUCTION_DIM), dtype=jnp.float32)
    bound = 1.0 / np.sqrt(REDUCTION_DIM)
    W1 = jax.random.uniform(k_w1, (REDUCTION_DIM, REDUCTION_DIM), minval=-bound, maxval=bound, dtype=jnp.float32)
    b1 = jax.random.uniform(k_b1, (REDUCTION_DIM,), minval=-bound, maxval=bound, dtype=jnp.float32)
    W2 = jax.random.uniform(k_w2, (REDUCTION_DIM, REDUCTION_DIM), minval=-bound, maxval=bound, dtype=jnp.float32)
    b2 = jax.random.uniform(k_b2, (REDUCTION_DIM,), minval=-bound, maxval=bound, dtype=jnp.float32)
    return {"candidate_news_topicindex": candidate_news_topicindex, "table": table, "W1": W1, "b1": b1, "W2": W2, "b2": b2}

def reference(candidate_news_topicindex, table, W1, b1, W2, b2):
    # eval mode: F.dropout(training=False) and nn.Dropout are identity
    news_vector = jnp.take(table, candidate_news_topicindex, axis=0)
    h = jnp.dot(news_vector, W1.T) + b1
    h = jax.nn.relu(h)
    final_news_vector = jnp.dot(h, W2.T) + b2
    return final_news_vector

if __name__ == "__main__":
    import jax
    _d = setup_inputs()
    print(jax.jit(kernel)(*tuple(_d.values())))

</pallas_src>

<mosaic_0001>
#map = affine_map<(d0, d1) -> (0, 0)>
#map1 = affine_map<(d0, d1) -> (0)>
#map2 = affine_map<(d0, d1) -> (0, 0, 0)>
module attributes {stable_mosaic.version = 14 : i64} {
  func.func @gather_kernel(%arg0: i32, %arg1: i32, %arg2: memref<312x128xf32, #tpu.memory_space<hbm>>, %arg3: memref<917504xi32, #tpu.memory_space<hbm>>, %arg4: memref<16384x50x128xf32, #tpu.memory_space<hbm>>, %arg5: memref<28672xi32, #tpu.memory_space<vmem>>, %arg6: memref<4x112x128xf32, #tpu.memory_space<vmem>>, %arg7: memref<312x128xf32, #tpu.memory_space<vmem_shared>>, %arg8: memref<!tpu.dma_semaphore, #tpu.memory_space<semaphore_mem>>, %arg9: memref<!tpu.dma_semaphore, #tpu.memory_space<semaphore_mem>>, %arg10: memref<!tpu.dma_semaphore, #tpu.memory_space<semaphore_mem>>, %arg11: memref<!tpu.dma_semaphore, #tpu.memory_space<semaphore_mem>>, %arg12: memref<!tpu.dma_semaphore, #tpu.memory_space<semaphore_mem>>, %arg13: memref<!tpu.dma_semaphore, #tpu.memory_space<semaphore_mem>>, %arg14: memref<!tpu.dma_semaphore, #tpu.memory_space<semaphore_mem>>, %arg15: memref<!tpu.dma_semaphore, #tpu.memory_space<semaphore_mem>>) attributes {dimension_semantics = [#tpu.dimension_semantics<core_parallel>, #tpu.dimension_semantics<subcore_parallel>], iteration_bounds = array<i64: 2, 16>, scalar_prefetch = 0 : i64, scratch_operands = 11 : i64, tpu.core_type = #tpu.core_type<sc_vector_subcore>, window_params = [{transform_indices = #map}, {transform_indices = #map1}, {transform_indices = #map2}]} {
    %mul3A = arith.constant 2 : i32
    %mul3A_0 = arith.muli %arg1, %mul3A : i32
    %add3A = arith.addi %mul3A_0, %arg0 : i32
    %mul3A_1 = arith.constant 512 : i32
    %mul3A_2 = arith.muli %add3A, %mul3A_1 : i32
    %eq3A = arith.constant 0 : i32
    %eq3A_3 = arith.cmpi eq, %arg1, %eq3A : i32
    %convert_element_type3A = arith.extui %eq3A_3 : i1 to i32
    %cond3A = arith.constant 0 : i32
    %cond3A_4 = arith.cmpi ne, %convert_element_type3A, %cond3A : i32
    scf.if %cond3A_4 {
      "tpu.region"() ({
        %run_scoped3A = tpu.sem_alloc : memref<!tpu.dma_semaphore, #tpu.memory_space<semaphore_mem>>
        tpu.enqueue_dma source(%arg2 : memref<312x128xf32, #tpu.memory_space<hbm>>) target(%arg7 : memref<312x128xf32, #tpu.memory_space<vmem_shared>>) target_semaphore(%run_scoped3A : memref<!tpu.dma_semaphore, #tpu.memory_space<semaphore_mem>>)
        tpu.wait_dma2 semaphore(%run_scoped3A : memref<!tpu.dma_semaphore, #tpu.memory_space<semaphore_mem>>) src(%arg2 : memref<312x128xf32, #tpu.memory_space<hbm>>) dst(%arg7 : memref<312x128xf32, #tpu.memory_space<vmem_shared>>)
        tpu.yield
      }) : () -> ()
    } else {
    }
    %mul3A_5 = arith.constant 56 : i32
    %mul3A_6 = arith.muli %mul3A_2, %mul3A_5 : i32
    "tpu.region"() ({
      %run_scoped3A = tpu.sem_alloc : memref<!tpu.dma_semaphore, #tpu.memory_space<semaphore_mem>>
      %dma_start3A_474 = tpu.memref_slice %arg3[%mul3A_6] : memref<917504xi32, #tpu.memory_space<hbm>> -> memref<28672xi32, #tpu.memory_space<hbm>>
      %dma_start3A_475 = tpu.memref_slice %arg3[%mul3A_6] : memref<917504xi32, #tpu.memory_space<hbm>> -> memref<28672xi32, #tpu.memory_space<hbm>>
      tpu.enqueue_dma source(%dma_start3A_475 : memref<28672xi32, #tpu.memory_space<hbm>>) target(%arg5 : memref<28672xi32, #tpu.memory_space<vmem>>) target_semaphore(%run_scoped3A : memref<!tpu.dma_semaphore, #tpu.memory_space<semaphore_mem>>)
      %dma_wait3A_476 = tpu.memref_slice %arg3[%mul3A_6] : memref<917504xi32, #tpu.memory_space<hbm>> -> memref<28672xi32, #tpu.memory_space<hbm>>
      %dma_wait3A_477 = tpu.memref_slice %arg3[%mul3A_6] : memref<917504xi32, #tpu.memory_space<hbm>> -> memref<28672xi32, #tpu.memory_space<hbm>>
      tpu.wait_dma2 semaphore(%run_scoped3A : memref<!tpu.dma_semaphore, #tpu.memory_space<semaphore_mem>>) src(%dma_wait3A_477 : memref<28672xi32, #tpu.memory_space<hbm>>) dst(%arg5 : memref<28672xi32, #tpu.memory_space<vmem>>)
      tpu.yield
    }) : () -> ()
    %barrier3A = arith.constant 0 : index
    tpu.barrier barrier_id(%barrier3A)
    %dma_start3A = arith.constant 0 : i32
    %dma_start3A_7 = arith.constant 0 : i32
    %dma_start3A_8 = arith.constant 0 : i32
    %dma_start3A_9 = tpu.memref_slice %arg6[%dma_start3A, %dma_start3A_7, %dma_start3A_8] : memref<4x112x128xf32, #tpu.memory_space<vmem>> -> memref<1x112x128xf32, #tpu.memory_space<vmem>>
    %dma_start3A_10 = tpu.memref_squeeze %dma_start3A_9 : memref<1x112x128xf32, #tpu.memory_space<vmem>> -> memref<112x128xf32, #tpu.memory_space<vmem>>
    %dma_start3A_11 = arith.constant 0 : i32
    %dma_start3A_12 = tpu.memref_slice %arg5[%dma_start3A_11] : memref<28672xi32, #tpu.memory_space<vmem>> -> memref<112xi32, #tpu.memory_space<vmem>>
    %dma_start3A_13 = arith.constant 0 : i32
    %dma_start3A_14 = arith.constant 0 : i32
    %dma_start3A_15 = tpu.memref_slice %arg7[%dma_start3A_13, %dma_start3A_14] : memref<312x128xf32, #tpu.memory_space<vmem_shared>> -> memref<312x128xf32, #tpu.memory_space<vmem_shared>>
    tpu.enqueue_indirect_dma source(%dma_start3A_15 : memref<312x128xf32, #tpu.memory_space<vmem_shared>>) target(%dma_start3A_10 : memref<112x128xf32, #tpu.memory_space<vmem>>) offsets(%dma_start3A_12 : memref<112xi32, #tpu.memory_space<vmem>>) semaphore(%arg8 : memref<!tpu.dma_semaphore, #tpu.memory_space<semaphore_mem>>)
    %dma_start3A_16 = arith.constant 1 : i32
    %dma_start3A_17 = arith.constant 0 : i32
    %dma_start3A_18 = arith.constant 0 : i32
    %dma_start3A_19 = tpu.memref_slice %arg6[%dma_start3A_16, %dma_start3A_17, %dma_start3A_18] : memref<4x112x128xf32, #tpu.memory_space<vmem>> -> memref<1x112x128xf32, #tpu.memory_space<vmem>>
    %dma_start3A_20 = tpu.memref_squeeze %dma_start3A_19 : memref<1x112x128xf32, #tpu.memory_space<vmem>> -> memref<112x128xf32, #tpu.memory_space<vmem>>
    %dma_start3A_21 = arith.constant 112 : i32
    %dma_start3A_22 = tpu.memref_slice %arg5[%dma_start3A_21] : memref<28672xi32, #tpu.memory_space<vmem>> -> memref<112xi32, #tpu.memory_space<vmem>>
    %dma_start3A_23 = arith.constant 0 : i32
    %dma_start3A_24 = arith.constant 0 : i32
    %dma_start3A_25 = tpu.memref_slice %arg7[%dma_start3A_23, %dma_start3A_24] : memref<312x128xf32, #tpu.memory_space<vmem_shared>> -> memref<312x128xf32, #tpu.memory_space<vmem_shared>>
    tpu.enqueue_indirect_dma source(%dma_start3A_25 : memref<312x128xf32, #tpu.memory_space<vmem_shared>>) target(%dma_start3A_20 : memref<112x128xf32, #tpu.memory_space<vmem>>) offsets(%dma_start3A_22 : memref<112xi32, #tpu.memory_space<vmem>>) semaphore(%arg9 : memref<!tpu.dma_semaphore, #tpu.memory_space<semaphore_mem>>)
    %dma_start3A_26 = arith.constant 2 : i32
    %dma_start3A_27 = arith.constant 0 : i32
    %dma_start3A_28 = arith.constant 0 : i32
    %dma_start3A_29 = tpu.memref_slice %arg6[%dma_start3A_26, %dma_start3A_27, %dma_start3A_28] : memref<4x112x128xf32, #tpu.memory_space<vmem>> -> memref<1x112x128xf32, #tpu.memory_space<vmem>>
    %dma_start3A_30 = tpu.memref_squeeze %dma_start3A_29 : memref<1x112x128xf32, #tpu.memory_space<vmem>> -> memref<112x128xf32, #tpu.memory_space<vmem>>
    %dma_start3A_31 = arith.constant 224 : i32
    %dma_start3A_32 = tpu.memref_slice %arg5[%dma_start3A_31] : memref<28672xi32, #tpu.memory_space<vmem>> -> memref<112xi32, #tpu.memory_space<vmem>>
    %dma_start3A_33 = arith.constant 0 : i32
    %dma_start3A_34 = arith.constant 0 : i32
    %dma_start3A_35 = tpu.memref_slice %arg7[%dma_start3A_33, %dma_start3A_34] : memref<312x128xf32, #tpu.memory_space<vmem_shared>> -> memref<312x128xf32, #tpu.memory_space<vmem_shared>>
    tpu.enqueue_indirect_dma source(%dma_start3A_35 : memref<312x128xf32, #tpu.memory_space<vmem_shared>>) target(%dma_start3A_30 : memref<112x128xf32, #tpu.memory_space<vmem>>) offsets(%dma_start3A_32 : memref<112xi32, #tpu.memory_space<vmem>>) semaphore(%arg10 : memref<!tpu.dma_semaphore, #tpu.memory_space<semaphore_mem>>)
    %dma_start3A_36 = arith.constant 3 : i32
    %dma_start3A_37 = arith.constant 0 : i32
    %dma_start3A_38 = arith.constant 0 : i32
    %dma_start3A_39 = tpu.memref_slice %arg6[%dma_start3A_36, %dma_start3A_37, %dma_start3A_38] : memref<4x112x128xf32, #tpu.memory_space<vmem>> -> memref<1x112x128xf32, #tpu.memory_space<vmem>>
    %dma_start3A_40 = tpu.memref_squeeze %dma_start3A_39 : memref<1x112x128xf32, #tpu.memory_space<vmem>> -> memref<112x128xf32, #tpu.memory_space<vmem>>
    %dma_start3A_41 = arith.constant 336 : i32
    %dma_start3A_42 = tpu.memref_slice %arg5[%dma_start3A_41] : memref<28672xi32, #tpu.memory_space<vmem>> -> memref<112xi32, #tpu.memory_space<vmem>>
    %dma_start3A_43 = arith.constant 0 : i32
    %dma_start3A_44 = arith.constant 0 : i32
    %dma_start3A_45 = tpu.memref_slice %arg7[%dma_start3A_43, %dma_start3A_44] : memref<312x128xf32, #tpu.memory_space<vmem_shared>> -> memref<312x128xf32, #tpu.memory_space<vmem_shared>>
    tpu.enqueue_indirect_dma source(%dma_start3A_45 : memref<312x128xf32, #tpu.memory_space<vmem_shared>>) target(%dma_start3A_40 : memref<112x128xf32, #tpu.memory_space<vmem>>) offsets(%dma_start3A_42 : memref<112xi32, #tpu.memory_space<vmem>>) semaphore(%arg11 : memref<!tpu.dma_semaphore, #tpu.memory_space<semaphore_mem>>)
    %scan3A = arith.constant 0 : i32
    %scan3A_46 = arith.constant 0 : i32
    %scan3A_47 = arith.constant 63 : i32
    %scan3A_48 = arith.addi %scan3A_46, %scan3A_47 : i32
    %scan3A_49 = arith.constant 1 : i32
    scf.for %scan3A_474 = %scan3A_46 to %scan3A_48 step %scan3A_49  : i32 {
      %mul3A_475 = arith.constant 4 : i32
      %mul3A_476 = arith.muli %scan3A_474, %mul3A_475 : i32
      %dma_wait3A_477 = arith.constant 0 : i32
      %dma_wait3A_478 = arith.constant 0 : i32
      %dma_wait3A_479 = arith.constant 0 : i32
      %dma_wait3A_480 = tpu.memref_slice %arg6[%dma_wait3A_477, %dma_wait3A_478, %dma_wait3A_479] : memref<4x112x128xf32, #tpu.memory_space<vmem>> -> memref<1x112x128xf32, #tpu.memory_space<vmem>>
      %dma_wait3A_481 = tpu.memref_squeeze %dma_wait3A_480 : memref<1x112x128xf32, #tpu.memory_space<vmem>> -> memref<112x128xf32, #tpu.memory_space<vmem>>
      %dma_wait3A_482 = arith.constant 0 : i32
      %dma_wait3A_483 = tpu.memref_slice %arg5[%dma_wait3A_482] : memref<28672xi32, #tpu.memory_space<vmem>> -> memref<112xi32, #tpu.memory_space<vmem>>
      %dma_wait3A_484 = arith.constant 0 : i32
      %dma_wait3A_485 = arith.constant 0 : i32
      %dma_wait3A_486 = tpu.memref_slice %arg7[%dma_wait3A_484, %dma_wait3A_485] : memref<312x128xf32, #tpu.memory_space<vmem_shared>> -> memref<312x128xf32, #tpu.memory_space<vmem_shared>>
      tpu.wait_indirect_dma semaphore(%arg8 : memref<!tpu.dma_semaphore, #tpu.memory_space<semaphore_mem>>) src(%dma_wait3A_486 : memref<312x128xf32, #tpu.memory_space<vmem_shared>>) dst(%dma_wait3A_481 : memref<112x128xf32, #tpu.memory_space<vmem>>)
      %add3A_487 = arith.constant 0 : i32
      %add3A_488 = arith.addi %mul3A_476, %add3A_487 : i32
      %mul3A_489 = arith.constant 2 : i32
      %mul3A_490 = arith.muli %mul3A_489, %add3A_488 : i32
      %add3A_491 = arith.addi %mul3A_2, %mul3A_490 : i32
      %dma_start3A_492 = arith.constant 0 : i32
      %dma_start3A_493 = arith.constant 0 : i32
      %dma_start3A_494 = arith.constant 0 : i32
      %dma_start3A_495 = tpu.memref_slice %arg6[%dma_start3A_492, %dma_start3A_493, %dma_start3A_494] : memref<4x112x128xf32, #tpu.memory_space<vmem>> -> memref<1x112x128xf32, #tpu.memory_space<vmem>>
      %dma_start3A_496 = tpu.memref_squeeze %dma_start3A_495 : memref<1x112x128xf32, #tpu.memory_space<vmem>> -> memref<112x128xf32, #tpu.memory_space<vmem>>
      %dma_start3A_497 = arith.constant 0 : i32
      %dma_start3A_498 = arith.constant 0 : i32
      %dma_start3A_499 = tpu.memref_slice %dma_start3A_496[%dma_start3A_497, %dma_start3A_498] : memref<112x128xf32, #tpu.memory_space<vmem>> -> memref<50x128xf32, #tpu.memory_space<vmem>>
      %dma_start3A_500 = arith.constant 0 : i32
      %dma_start3A_501 = arith.constant 0 : i32
      %dma_start3A_502 = tpu.memref_slice %arg4[%add3A_491, %dma_start3A_500, %dma_start3A_501] : memref<16384x50x128xf32, #tpu.memory_space<hbm>> -> memref<1x50x128xf32, #tpu.memory_space<hbm>>
      %dma_start3A_503 = tpu.memref_squeeze %dma_start3A_502 : memref<1x50x128xf32, #tpu.memory_space<hbm>> -> memref<50x128xf32, #tpu.memory_space<hbm>>
      %dma_start3A_504 = arith.constant 0 : i32
      %dma_start3A_505 = arith.constant 0 : i32
      %dma_start3A_506 = tpu.memref_slice %arg4[%add3A_491, %dma_start3A_504, %dma_start3A_505] : memref<16384x50x128xf32, #tpu.memory_space<hbm>> -> memref<1x50x128xf32, #tpu.memory_space<hbm>>
      %dma_start3A_507 = tpu.memref_squeeze %dma_start3A_506 : memref<1x50x128xf32, #tpu.memory_space<hbm>> -> memref<50x128xf32, #tpu.memory_space<hbm>>
      %dma_start3A_508 = arith.constant 0 : i32
      %dma_start3A_509 = arith.constant 0 : i32
      %dma_start3A_510 = tpu.memref_slice %arg6[%dma_start3A_492, %dma_start3A_508, %dma_start3A_509] : memref<4x112x128xf32, #tpu.memory_space<vmem>> -> memref<1x112x128xf32, #tpu.memory_space<vmem>>
      %dma_start3A_511 = tpu.memref_squeeze %dma_start3A_510 : memref<1x112x128xf32, #tpu.memory_space<vmem>> -> memref<112x128xf32, #tpu.memory_space<vmem>>
      %dma_start3A_512 = arith.constant 0 : i32
      %dma_start3A_513 = arith.constant 0 : i32
      %dma_start3A_514 = tpu.memref_slice %dma_start3A_511[%dma_start3A_512, %dma_start3A_513] : memref<112x128xf32, #tpu.memory_space<vmem>> -> memref<50x128xf32, #tpu.memory_space<vmem>>
      tpu.enqueue_dma source(%dma_start3A_514 : memref<50x128xf32, #tpu.memory_space<vmem>>) target(%dma_start3A_507 : memref<50x128xf32, #tpu.memory_space<hbm>>) target_semaphore(%arg12 : memref<!tpu.dma_semaphore, #tpu.memory_space<semaphore_mem>>)
      %add3A_515 = arith.constant 1 : i32
      %add3A_516 = arith.addi %add3A_491, %add3A_515 : i32
      %dma_start3A_517 = arith.constant 0 : i32
      %dma_start3A_518 = arith.constant 0 : i32
      %dma_start3A_519 = arith.constant 0 : i32
      %dma_start3A_520 = tpu.memref_slice %arg6[%dma_start3A_517, %dma_start3A_518, %dma_start3A_519] : memref<4x112x128xf32, #tpu.memory_space<vmem>> -> memref<1x112x128xf32, #tpu.memory_space<vmem>>
      %dma_start3A_521 = tpu.memref_squeeze %dma_start3A_520 : memref<1x112x128xf32, #tpu.memory_space<vmem>> -> memref<112x128xf32, #tpu.memory_space<vmem>>
      %dma_start3A_522 = arith.constant 56 : i32
      %dma_start3A_523 = arith.constant 0 : i32
      %dma_start3A_524 = tpu.memref_slice %dma_start3A_521[%dma_start3A_522, %dma_start3A_523] : memref<112x128xf32, #tpu.memory_space<vmem>> -> memref<50x128xf32, #tpu.memory_space<vmem>>
      %dma_start3A_525 = arith.constant 0 : i32
      %dma_start3A_526 = arith.constant 0 : i32
      %dma_start3A_527 = tpu.memref_slice %arg4[%add3A_516, %dma_start3A_525, %dma_start3A_526] : memref<16384x50x128xf32, #tpu.memory_space<hbm>> -> memref<1x50x128xf32, #tpu.memory_space<hbm>>
      %dma_start3A_528 = tpu.memref_squeeze %dma_start3A_527 : memref<1x50x128xf32, #tpu.memory_space<hbm>> -> memref<50x128xf32, #tpu.memory_space<hbm>>
      %dma_start3A_529 = arith.constant 0 : i32
      %dma_start3A_530 = arith.constant 0 : i32
      %dma_start3A_531 = tpu.memref_slice %arg4[%add3A_516, %dma_start3A_529, %dma_start3A_530] : memref<16384x50x128xf32, #tpu.memory_space<hbm>> -> memref<1x50x128xf32, #tpu.memory_space<hbm>>
      %dma_start3A_532 = tpu.memref_squeeze %dma_start3A_531 : memref<1x50x128xf32, #tpu.memory_space<hbm>> -> memref<50x128xf32, #tpu.memory_space<hbm>>
      %dma_start3A_533 = arith.constant 0 : i32
      %dma_start3A_534 = arith.constant 0 : i32
      %dma_start3A_535 = tpu.memref_slice %arg6[%dma_start3A_517, %dma_start3A_533, %dma_start3A_534] : memref<4x112x128xf32, #tpu.memory_space<vmem>> -> memref<1x112x128xf32, #tpu.memory_space<vmem>>
      %dma_start3A_536 = tpu.memref_squeeze %dma_start3A_535 : memref<1x112x128xf32, #tpu.memory_space<vmem>> -> memref<112x128xf32, #tpu.memory_space<vmem>>
      %dma_start3A_537 = arith.constant 56 : i32
      %dma_start3A_538 = arith.constant 0 : i32
      %dma_start3A_539 = tpu.memref_slice %dma_start3A_536[%dma_start3A_537, %dma_start3A_538] : memref<112x128xf32, #tpu.memory_space<vmem>> -> memref<50x128xf32, #tpu.memory_space<vmem>>
      tpu.enqueue_dma source(%dma_start3A_539 : memref<50x128xf32, #tpu.memory_space<vmem>>) target(%dma_start3A_532 : memref<50x128xf32, #tpu.memory_space<hbm>>) target_semaphore(%arg12 : memref<!tpu.dma_semaphore, #tpu.memory_space<semaphore_mem>>)
      %dma_wait3A_540 = arith.constant 1 : i32
      %dma_wait3A_541 = arith.constant 0 : i32
      %dma_wait3A_542 = arith.constant 0 : i32
      %dma_wait3A_543 = tpu.memref_slice %arg6[%dma_wait3A_540, %dma_wait3A_541, %dma_wait3A_542] : memref<4x112x128xf32, #tpu.memory_space<vmem>> -> memref<1x112x128xf32, #tpu.memory_space<vmem>>
      %dma_wait3A_544 = tpu.memref_squeeze %dma_wait3A_543 : memref<1x112x128xf32, #tpu.memory_space<vmem>> -> memref<112x128xf32, #tpu.memory_space<vmem>>
      %dma_wait3A_545 = arith.constant 0 : i32
      %dma_wait3A_546 = tpu.memref_slice %arg5[%dma_wait3A_545] : memref<28672xi32, #tpu.memory_space<vmem>> -> memref<112xi32, #tpu.memory_space<vmem>>
      %dma_wait3A_547 = arith.constant 0 : i32
      %dma_wait3A_548 = arith.constant 0 : i32
      %dma_wait3A_549 = tpu.memref_slice %arg7[%dma_wait3A_547, %dma_wait3A_548] : memref<312x128xf32, #tpu.memory_space<vmem_shared>> -> memref<312x128xf32, #tpu.memory_space<vmem_shared>>
      tpu.wait_indirect_dma semaphore(%arg9 : memref<!tpu.dma_semaphore, #tpu.memory_space<semaphore_mem>>) src(%dma_wait3A_549 : memref<312x128xf32, #tpu.memory_space<vmem_shared>>) dst(%dma_wait3A_544 : memref<112x128xf32, #tpu.memory_space<vmem>>)
      %add3A_550 = arith.constant 1 : i32
      %add3A_551 = arith.addi %mul3A_476, %add3A_550 : i32
      %mul3A_552 = arith.constant 2 : i32
      %mul3A_553 = arith.muli %mul3A_552, %add3A_551 : i32
      %add3A_554 = arith.addi %mul3A_2, %mul3A_553 : i32
      %dma_start3A_555 = arith.constant 1 : i32
      %dma_start3A_556 = arith.constant 0 : i32
      %dma_start3A_557 = arith.constant 0 : i32
      %dma_start3A_558 = tpu.memref_slice %arg6[%dma_start3A_555, %dma_start3A_556, %dma_start3A_557] : memref<4x112x128xf32, #tpu.memory_space<vmem>> -> memref<1x112x128xf32, #tpu.memory_space<vmem>>
      %dma_start3A_559 = tpu.memref_squeeze %dma_start3A_558 : memref<1x112x128xf32, #tpu.memory_space<vmem>> -> memref<112x128xf32, #tpu.memory_space<vmem>>
      %dma_start3A_560 = arith.constant 0 : i32
      %dma_start3A_561 = arith.constant 0 : i32
      %dma_start3A_562 = tpu.memref_slice %dma_start3A_559[%dma_start3A_560, %dma_start3A_561] : memref<112x128xf32, #tpu.memory_space<vmem>> -> memref<50x128xf32, #tpu.memory_space<vmem>>
      %dma_start3A_563 = arith.constant 0 : i32
      %dma_start3A_564 = arith.constant 0 : i32
      %dma_start3A_565 = tpu.memref_slice %arg4[%add3A_554, %dma_start3A_563, %dma_start3A_564] : memref<16384x50x128xf32, #tpu.memory_space<hbm>> -> memref<1x50x128xf32, #tpu.memory_space<hbm>>
      %dma_start3A_566 = tpu.memref_squeeze %dma_start3A_565 : memref<1x50x128xf32, #tpu.memory_space<hbm>> -> memref<50x128xf32, #tpu.memory_space<hbm>>
      %dma_start3A_567 = arith.constant 0 : i32
      %dma_start3A_568 = arith.constant 0 : i32
      %dma_start3A_569 = tpu.memref_slice %arg4[%add3A_554, %dma_start3A_567, %dma_start3A_568] : memref<16384x50x128xf32, #tpu.memory_space<hbm>> -> memref<1x50x128xf32, #tpu.memory_space<hbm>>
      %dma_start3A_570 = tpu.memref_squeeze %dma_start3A_569 : memref<1x50x128xf32, #tpu.memory_space<hbm>> -> memref<50x128xf32, #tpu.memory_space<hbm>>
      %dma_start3A_571 = arith.constant 0 : i32
      %dma_start3A_572 = arith.constant 0 : i32
      %dma_start3A_573 = tpu.memref_slice %arg6[%dma_start3A_555, %dma_start3A_571, %dma_start3A_572] : memref<4x112x128xf32, #tpu.memory_space<vmem>> -> memref<1x112x128xf32, #tpu.memory_space<vmem>>
      %dma_start3A_574 = tpu.memref_squeeze %dma_start3A_573 : memref<1x112x128xf32, #tpu.memory_space<vmem>> -> memref<112x128xf32, #tpu.memory_space<vmem>>
      %dma_start3A_575 = arith.constant 0 : i32
      %dma_start3A_576 = arith.constant 0 : i32
      %dma_start3A_577 = tpu.memref_slice %dma_start3A_574[%dma_start3A_575, %dma_start3A_576] : memref<112x128xf32, #tpu.memory_space<vmem>> -> memref<50x128xf32, #tpu.memory_space<vmem>>
      tpu.enqueue_dma source(%dma_start3A_577 : memref<50x128xf32, #tpu.memory_space<vmem>>) target(%dma_start3A_570 : memref<50x128xf32, #tpu.memory_space<hbm>>) target_semaphore(%arg13 : memref<!tpu.dma_semaphore, #tpu.memory_space<semaphore_mem>>)
      %add3A_578 = arith.constant 1 : i32
      %add3A_579 = arith.addi %add3A_554, %add3A_578 : i32
      %dma_start3A_580 = arith.constant 1 : i32
      %dma_start3A_581 = arith.constant 0 : i32
      %dma_start3A_582 = arith.constant 0 : i32
      %dma_start3A_583 = tpu.memref_slice %arg6[%dma_start3A_580, %dma_start3A_581, %dma_start3A_582] : memref<4x112x128xf32, #tpu.memory_space<vmem>> -> memref<1x112x128xf32, #tpu.memory_space<vmem>>
      %dma_start3A_584 = tpu.memref_squeeze %dma_start3A_583 : memref<1x112x128xf32, #tpu.memory_space<vmem>> -> memref<112x128xf32, #tpu.memory_space<vmem>>
      %dma_start3A_585 = arith.constant 56 : i32
      %dma_start3A_586 = arith.constant 0 : i32
      %dma_start3A_587 = tpu.memref_slice %dma_start3A_584[%dma_start3A_585, %dma_start3A_586] : memref<112x128xf32, #tpu.memory_space<vmem>> -> memref<50x128xf32, #tpu.memory_space<vmem>>
      %dma_start3A_588 = arith.constant 0 : i32
      %dma_start3A_589 = arith.constant 0 : i32
      %dma_start3A_590 = tpu.memref_slice %arg4[%add3A_579, %dma_start3A_588, %dma_start3A_589] : memref<16384x50x128xf32, #tpu.memory_space<hbm>> -> memref<1x50x128xf32, #tpu.memory_space<hbm>>
      %dma_start3A_591 = tpu.memref_squeeze %dma_start3A_590 : memref<1x50x128xf32, #tpu.memory_space<hbm>> -> memref<50x128xf32, #tpu.memory_space<hbm>>
      %dma_start3A_592 = arith.constant 0 : i32
      %dma_start3A_593 = arith.constant 0 : i32
      %dma_start3A_594 = tpu.memref_slice %arg4[%add3A_579, %dma_start3A_592, %dma_start3A_593] : memref<16384x50x128xf32, #tpu.memory_space<hbm>> -> memref<1x50x128xf32, #tpu.memory_space<hbm>>
      %dma_start3A_595 = tpu.memref_squeeze %dma_start3A_594 : memref<1x50x128xf32, #tpu.memory_space<hbm>> -> memref<50x128xf32, #tpu.memory_space<hbm>>
      %dma_start3A_596 = arith.constant 0 : i32
      %dma_start3A_597 = arith.constant 0 : i32
      %dma_start3A_598 = tpu.memref_slice %arg6[%dma_start3A_580, %dma_start3A_596, %dma_start3A_597] : memref<4x112x128xf32, #tpu.memory_space<vmem>> -> memref<1x112x128xf32, #tpu.memory_space<vmem>>
      %dma_start3A_599 = tpu.memref_squeeze %dma_start3A_598 : memref<1x112x128xf32, #tpu.memory_space<vmem>> -> memref<112x128xf32, #tpu.memory_space<vmem>>
      %dma_start3A_600 = arith.constant 56 : i32
      %dma_start3A_601 = arith.constant 0 : i32
      %dma_start3A_602 = tpu.memref_slice %dma_start3A_599[%dma_start3A_600, %dma_start3A_601] : memref<112x128xf32, #tpu.memory_space<vmem>> -> memref<50x128xf32, #tpu.memory_space<vmem>>
      tpu.enqueue_dma source(%dma_start3A_602 : memref<50x128xf32, #tpu.memory_space<vmem>>) target(%dma_start3A_595 : memref<50x128xf32, #tpu.memory_space<hbm>>) target_semaphore(%arg13 : memref<!tpu.dma_semaphore, #tpu.memory_space<semaphore_mem>>)
      %dma_wait3A_603 = arith.constant 2 : i32
      %dma_wait3A_604 = arith.constant 0 : i32
      %dma_wait3A_605 = arith.constant 0 : i32
      %dma_wait3A_606 = tpu.memref_slice %arg6[%dma_wait3A_603, %dma_wait3A_604, %dma_wait3A_605] : memref<4x112x128xf32, #tpu.memory_space<vmem>> -> memref<1x112x128xf32, #tpu.memory_space<vmem>>
      %dma_wait3A_607 = tpu.memref_squeeze %dma_wait3A_606 : memref<1x112x128xf32, #tpu.memory_space<vmem>> -> memref<112x128xf32, #tpu.memory_space<vmem>>
      %dma_wait3A_608 = arith.constant 0 : i32
      %dma_wait3A_609 = tpu.memref_slice %arg5[%dma_wait3A_608] : memref<28672xi32, #tpu.memory_space<vmem>> -> memref<112xi32, #tpu.memory_space<vmem>>
      %dma_wait3A_610 = arith.constant 0 : i32
      %dma_wait3A_611 = arith.constant 0 : i32
      %dma_wait3A_612 = tpu.memref_slice %arg7[%dma_wait3A_610, %dma_wait3A_611] : memref<312x128xf32, #tpu.memory_space<vmem_shared>> -> memref<312x128xf32, #tpu.memory_space<vmem_shared>>
      tpu.wait_indirect_dma semaphore(%arg10 : memref<!tpu.dma_semaphore, #tpu.memory_space<semaphore_mem>>) src(%dma_wait3A_612 : memref<312x128xf32, #tpu.memory_space<vmem_shared>>) dst(%dma_wait3A_607 : memref<112x128xf32, #tpu.memory_space<vmem>>)
      %add3A_613 = arith.constant 2 : i32
      %add3A_614 = arith.addi %mul3A_476, %add3A_613 : i32
      %mul3A_615 = arith.constant 2 : i32
      %mul3A_616 = arith.muli %mul3A_615, %add3A_614 : i32
      %add3A_617 = arith.addi %mul3A_2, %mul3A_616 : i32
      %dma_start3A_618 = arith.constant 2 : i32
      %dma_start3A_619 = arith.constant 0 : i32
      %dma_start3A_620 = arith.constant 0 : i32
      %dma_start3A_621 = tpu.memref_slice %arg6[%dma_start3A_618, %dma_start3A_619, %dma_start3A_620] : memref<4x112x128xf32, #tpu.memory_space<vmem>> -> memref<1x112x128xf32, #tpu.memory_space<vmem>>
      %dma_start3A_622 = tpu.memref_squeeze %dma_start3A_621 : memref<1x112x128xf32, #tpu.memory_space<vmem>> -> memref<112x128xf32, #tpu.memory_space<vmem>>
      %dma_start3A_623 = arith.constant 0 : i32
      %dma_start3A_624 = arith.constant 0 : i32
      %dma_start3A_625 = tpu.memref_slice %dma_start3A_622[%dma_start3A_623, %dma_start3A_624] : memref<112x128xf32, #tpu.memory_space<vmem>> -> memref<50x128xf32, #tpu.memory_space<vmem>>
      %dma_start3A_626 = arith.constant 0 : i32
      %dma_start3A_627 = arith.constant 0 : i32
      %dma_start3A_628 = tpu.memref_slice %arg4[%add3A_617, %dma_start3A_626, %dma_start3A_627] : memref<16384x50x128xf32, #tpu.memory_space<hbm>> -> memref<1x50x128xf32, #tpu.memory_space<hbm>>
      %dma_start3A_629 = tpu.memref_squeeze %dma_start3A_628 : memref<1x50x128xf32, #tpu.memory_space<hbm>> -> memref<50x128xf32, #tpu.memory_space<hbm>>
      %dma_start3A_630 = arith.constant 0 : i32
      %dma_start3A_631 = arith.constant 0 : i32
      %dma_start3A_632 = tpu.memref_slice %arg4[%add3A_617, %dma_start3A_630, %dma_start3A_631] : memref<16384x50x128xf32, #tpu.memory_space<hbm>> -> memref<1x50x128xf32, #tpu.memory_space<hbm>>
      %dma_start3A_633 = tpu.memref_squeeze %dma_start3A_632 : memref<1x50x128xf32, #tpu.memory_space<hbm>> -> memref<50x128xf32, #tpu.memory_space<hbm>>
      %dma_start3A_634 = arith.constant 0 : i32
      %dma_start3A_635 = arith.constant 0 : i32
      %dma_start3A_636 = tpu.memref_slice %arg6[%dma_start3A_618, %dma_start3A_634, %dma_start3A_635] : memref<4x112x128xf32, #tpu.memory_space<vmem>> -> memref<1x112x128xf32, #tpu.memory_space<vmem>>
      %dma_start3A_637 = tpu.memref_squeeze %dma_start3A_636 : memref<1x112x128xf32, #tpu.memory_space<vmem>> -> memref<112x128xf32, #tpu.memory_space<vmem>>
      %dma_start3A_638 = arith.constant 0 : i32
      %dma_start3A_639 = arith.constant 0 : i32
      %dma_start3A_640 = tpu.memref_slice %dma_start3A_637[%dma_start3A_638, %dma_start3A_639] : memref<112x128xf32, #tpu.memory_space<vmem>> -> memref<50x128xf32, #tpu.memory_space<vmem>>
      tpu.enqueue_dma source(%dma_start3A_640 : memref<50x128xf32, #tpu.memory_space<vmem>>) target(%dma_start3A_633 : memref<50x128xf32, #tpu.memory_space<hbm>>) target_semaphore(%arg14 : memref<!tpu.dma_semaphore, #tpu.memory_space<semaphore_mem>>)
      %add3A_641 = arith.constant 1 : i32
      %add3A_642 = arith.addi %add3A_617, %add3A_641 : i32
      %dma_start3A_643 = arith.constant 2 : i32
      %dma_start3A_644 = arith.constant 0 : i32
      %dma_start3A_645 = arith.constant 0 : i32
      %dma_start3A_646 = tpu.memref_slice %arg6[%dma_start3A_643, %dma_start3A_644, %dma_start3A_645] : memref<4x112x128xf32, #tpu.memory_space<vmem>> -> memref<1x112x128xf32, #tpu.memory_space<vmem>>
      %dma_start3A_647 = tpu.memref_squeeze %dma_start3A_646 : memref<1x112x128xf32, #tpu.memory_space<vmem>> -> memref<112x128xf32, #tpu.memory_space<vmem>>
      %dma_start3A_648 = arith.constant 56 : i32
      %dma_start3A_649 = arith.constant 0 : i32
      %dma_start3A_650 = tpu.memref_slice %dma_start3A_647[%dma_start3A_648, %dma_start3A_649] : memref<112x128xf32, #tpu.memory_space<vmem>> -> memref<50x128xf32, #tpu.memory_space<vmem>>
      %dma_start3A_651 = arith.constant 0 : i32
      %dma_start3A_652 = arith.constant 0 : i32
      %dma_start3A_653 = tpu.memref_slice %arg4[%add3A_642, %dma_start3A_651, %dma_start3A_652] : memref<16384x50x128xf32, #tpu.memory_space<hbm>> -> memref<1x50x128xf32, #tpu.memory_space<hbm>>
      %dma_start3A_654 = tpu.memref_squeeze %dma_start3A_653 : memref<1x50x128xf32, #tpu.memory_space<hbm>> -> memref<50x128xf32, #tpu.memory_space<hbm>>
      %dma_start3A_655 = arith.constant 0 : i32
      %dma_start3A_656 = arith.constant 0 : i32
      %dma_start3A_657 = tpu.memref_slice %arg4[%add3A_642, %dma_start3A_655, %dma_start3A_656] : memref<16384x50x128xf32, #tpu.memory_space<hbm>> -> memref<1x50x128xf32, #tpu.memory_space<hbm>>
      %dma_start3A_658 = tpu.memref_squeeze %dma_start3A_657 : memref<1x50x128xf32, #tpu.memory_space<hbm>> -> memref<50x128xf32, #tpu.memory_space<hbm>>
      %dma_start3A_659 = arith.constant 0 : i32
      %dma_start3A_660 = arith.constant 0 : i32
      %dma_start3A_661 = tpu.memref_slice %arg6[%dma_start3A_643, %dma_start3A_659, %dma_start3A_660] : memref<4x112x128xf32, #tpu.memory_space<vmem>> -> memref<1x112x128xf32, #tpu.memory_space<vmem>>
      %dma_start3A_662 = tpu.memref_squeeze %dma_start3A_661 : memref<1x112x128xf32, #tpu.memory_space<vmem>> -> memref<112x128xf32, #tpu.memory_space<vmem>>
      %dma_start3A_663 = arith.constant 56 : i32
      %dma_start3A_664 = arith.constant 0 : i32
      %dma_start3A_665 = tpu.memref_slice %dma_start3A_662[%dma_start3A_663, %dma_start3A_664] : memref<112x128xf32, #tpu.memory_space<vmem>> -> memref<50x128xf32, #tpu.memory_space<vmem>>
      tpu.enqueue_dma source(%dma_start3A_665 : memref<50x128xf32, #tpu.memory_space<vmem>>) target(%dma_start3A_658 : memref<50x128xf32, #tpu.memory_space<hbm>>) target_semaphore(%arg14 : memref<!tpu.dma_semaphore, #tpu.memory_space<semaphore_mem>>)
      %dma_wait3A_666 = arith.constant 3 : i32
      %dma_wait3A_667 = arith.constant 0 : i32
      %dma_wait3A_668 = arith.constant 0 : i32
      %dma_wait3A_669 = tpu.memref_slice %arg6[%dma_wait3A_666, %dma_wait3A_667, %dma_wait3A_668] : memref<4x112x128xf32, #tpu.memory_space<vmem>> -> memref<1x112x128xf32, #tpu.memory_space<vmem>>
      %dma_wait3A_670 = tpu.memref_squeeze %dma_wait3A_669 : memref<1x112x128xf32, #tpu.memory_space<vmem>> -> memref<112x128xf32, #tpu.memory_space<vmem>>
      %dma_wait3A_671 = arith.constant 0 : i32
      %dma_wait3A_672 = tpu.memref_slice %arg5[%dma_wait3A_671] : memref<28672xi32, #tpu.memory_space<vmem>> -> memref<112xi32, #tpu.memory_space<vmem>>
      %dma_wait3A_673 = arith.constant 0 : i32
      %dma_wait3A_674 = arith.constant 0 : i32
      %dma_wait3A_675 = tpu.memref_slice %arg7[%dma_wait3A_673, %dma_wait3A_674] : memref<312x128xf32, #tpu.memory_space<vmem_shared>> -> memref<312x128xf32, #tpu.memory_space<vmem_shared>>
      tpu.wait_indirect_dma semaphore(%arg11 : memref<!tpu.dma_semaphore, #tpu.memory_space<semaphore_mem>>) src(%dma_wait3A_675 : memref<312x128xf32, #tpu.memory_space<vmem_shared>>) dst(%dma_wait3A_670 : memref<112x128xf32, #tpu.memory_space<vmem>>)
      %add3A_676 = arith.constant 3 : i32
      %add3A_677 = arith.addi %mul3A_476, %add3A_676 : i32
      %mul3A_678 = arith.constant 2 : i32
      %mul3A_679 = arith.muli %mul3A_678, %add3A_677 : i32
      %add3A_680 = arith.addi %mul3A_2, %mul3A_679 : i32
      %dma_start3A_681 = arith.constant 3 : i32
      %dma_start3A_682 = arith.constant 0 : i32
      %dma_start3A_683 = arith.constant 0 : i32
      %dma_start3A_684 = tpu.memref_slice %arg6[%dma_start3A_681, %dma_start3A_682, %dma_start3A_683] : memref<4x112x128xf32, #tpu.memory_space<vmem>> -> memref<1x112x128xf32, #tpu.memory_space<vmem>>
      %dma_start3A_685 = tpu.memref_squeeze %dma_start3A_684 : memref<1x112x128xf32, #tpu.memory_space<vmem>> -> memref<112x128xf32, #tpu.memory_space<vmem>>
      %dma_start3A_686 = arith.constant 0 : i32
      %dma_start3A_687 = arith.constant 0 : i32
      %dma_start3A_688 = tpu.memref_slice %dma_start3A_685[%dma_start3A_686, %dma_start3A_687] : memref<112x128xf32, #tpu.memory_space<vmem>> -> memref<50x128xf32, #tpu.memory_space<vmem>>
      %dma_start3A_689 = arith.constant 0 : i32
      %dma_start3A_690 = arith.constant 0 : i32
      %dma_start3A_691 = tpu.memref_slice %arg4[%add3A_680, %dma_start3A_689, %dma_start3A_690] : memref<16384x50x128xf32, #tpu.memory_space<hbm>> -> memref<1x50x128xf32, #tpu.memory_space<hbm>>
      %dma_start3A_692 = tpu.memref_squeeze %dma_start3A_691 : memref<1x50x128xf32, #tpu.memory_space<hbm>> -> memref<50x128xf32, #tpu.memory_space<hbm>>
      %dma_start3A_693 = arith.constant 0 : i32
      %dma_start3A_694 = arith.constant 0 : i32
      %dma_start3A_695 = tpu.memref_slice %arg4[%add3A_680, %dma_start3A_693, %dma_start3A_694] : memref<16384x50x128xf32, #tpu.memory_space<hbm>> -> memref<1x50x128xf32, #tpu.memory_space<hbm>>
      %dma_start3A_696 = tpu.memref_squeeze %dma_start3A_695 : memref<1x50x128xf32, #tpu.memory_space<hbm>> -> memref<50x128xf32, #tpu.memory_space<hbm>>
      %dma_start3A_697 = arith.constant 0 : i32
      %dma_start3A_698 = arith.constant 0 : i32
      %dma_start3A_699 = tpu.memref_slice %arg6[%dma_start3A_681, %dma_start3A_697, %dma_start3A_698] : memref<4x112x128xf32, #tpu.memory_space<vmem>> -> memref<1x112x128xf32, #tpu.memory_space<vmem>>
      %dma_start3A_700 = tpu.memref_squeeze %dma_start3A_699 : memref<1x112x128xf32, #tpu.memory_space<vmem>> -> memref<112x128xf32, #tpu.memory_space<vmem>>
      %dma_start3A_701 = arith.constant 0 : i32
      %dma_start3A_702 = arith.constant 0 : i32
      %dma_start3A_703 = tpu.memref_slice %dma_start3A_700[%dma_start3A_701, %dma_start3A_702] : memref<112x128xf32, #tpu.memory_space<vmem>> -> memref<50x128xf32, #tpu.memory_space<vmem>>
      tpu.enqueue_dma source(%dma_start3A_703 : memref<50x128xf32, #tpu.memory_space<vmem>>) target(%dma_start3A_696 : memref<50x128xf32, #tpu.memory_space<hbm>>) target_semaphore(%arg15 : memref<!tpu.dma_semaphore, #tpu.memory_space<semaphore_mem>>)
      %add3A_704 = arith.constant 1 : i32
      %add3A_705 = arith.addi %add3A_680, %add3A_704 : i32
      %dma_start3A_706 = arith.constant 3 : i32
      %dma_start3A_707 = arith.constant 0 : i32
      %dma_start3A_708 = arith.constant 0 : i32
      %dma_start3A_709 = tpu.memref_slice %arg6[%dma_start3A_706, %dma_start3A_707, %dma_start3A_708] : memref<4x112x128xf32, #tpu.memory_space<vmem>> -> memref<1x112x128xf32, #tpu.memory_space<vmem>>
      %dma_start3A_710 = tpu.memref_squeeze %dma_start3A_709 : memref<1x112x128xf32, #tpu.memory_space<vmem>> -> memref<112x128xf32, #tpu.memory_space<vmem>>
      %dma_start3A_711 = arith.constant 56 : i32
      %dma_start3A_712 = arith.constant 0 : i32
      %dma_start3A_713 = tpu.memref_slice %dma_start3A_710[%dma_start3A_711, %dma_start3A_712] : memref<112x128xf32, #tpu.memory_space<vmem>> -> memref<50x128xf32, #tpu.memory_space<vmem>>
      %dma_start3A_714 = arith.constant 0 : i32
      %dma_start3A_715 = arith.constant 0 : i32
      %dma_start3A_716 = tpu.memref_slice %arg4[%add3A_705, %dma_start3A_714, %dma_start3A_715] : memref<16384x50x128xf32, #tpu.memory_space<hbm>> -> memref<1x50x128xf32, #tpu.memory_space<hbm>>
      %dma_start3A_717 = tpu.memref_squeeze %dma_start3A_716 : memref<1x50x128xf32, #tpu.memory_space<hbm>> -> memref<50x128xf32, #tpu.memory_space<hbm>>
      %dma_start3A_718 = arith.constant 0 : i32
      %dma_start3A_719 = arith.constant 0 : i32
      %dma_start3A_720 = tpu.memref_slice %arg4[%add3A_705, %dma_start3A_718, %dma_start3A_719] : memref<16384x50x128xf32, #tpu.memory_space<hbm>> -> memref<1x50x128xf32, #tpu.memory_space<hbm>>
      %dma_start3A_721 = tpu.memref_squeeze %dma_start3A_720 : memref<1x50x128xf32, #tpu.memory_space<hbm>> -> memref<50x128xf32, #tpu.memory_space<hbm>>
      %dma_start3A_722 = arith.constant 0 : i32
      %dma_start3A_723 = arith.constant 0 : i32
      %dma_start3A_724 = tpu.memref_slice %arg6[%dma_start3A_706, %dma_start3A_722, %dma_start3A_723] : memref<4x112x128xf32, #tpu.memory_space<vmem>> -> memref<1x112x128xf32, #tpu.memory_space<vmem>>
      %dma_start3A_725 = tpu.memref_squeeze %dma_start3A_724 : memref<1x112x128xf32, #tpu.memory_space<vmem>> -> memref<112x128xf32, #tpu.memory_space<vmem>>
      %dma_start3A_726 = arith.constant 56 : i32
      %dma_start3A_727 = arith.constant 0 : i32
      %dma_start3A_728 = tpu.memref_slice %dma_start3A_725[%dma_start3A_726, %dma_start3A_727] : memref<112x128xf32, #tpu.memory_space<vmem>> -> memref<50x128xf32, #tpu.memory_space<vmem>>
      tpu.enqueue_dma source(%dma_start3A_728 : memref<50x128xf32, #tpu.memory_space<vmem>>) target(%dma_start3A_721 : memref<50x128xf32, #tpu.memory_space<hbm>>) target_semaphore(%arg15 : memref<!tpu.dma_semaphore, #tpu.memory_space<semaphore_mem>>)
      %dma_wait3A_729 = arith.constant 0 : i32
      %dma_wait3A_730 = arith.constant 0 : i32
      %dma_wait3A_731 = arith.constant 0 : i32
      %dma_wait3A_732 = tpu.memref_slice %arg6[%dma_wait3A_729, %dma_wait3A_730, %dma_wait3A_731] : memref<4x112x128xf32, #tpu.memory_space<vmem>> -> memref<1x112x128xf32, #tpu.memory_space<vmem>>
      %dma_wait3A_733 = tpu.memref_squeeze %dma_wait3A_732 : memref<1x112x128xf32, #tpu.memory_space<vmem>> -> memref<112x128xf32, #tpu.memory_space<vmem>>
      %dma_wait3A_734 = arith.constant 0 : i32
      %dma_wait3A_735 = arith.constant 0 : i32
      %dma_wait3A_736 = tpu.memref_slice %dma_wait3A_733[%dma_wait3A_734, %dma_wait3A_735] : memref<112x128xf32, #tpu.memory_space<vmem>> -> memref<50x128xf32, #tpu.memory_space<vmem>>
      %dma_wait3A_737 = arith.constant 0 : i32
      %dma_wait3A_738 = arith.constant 0 : i32
      %dma_wait3A_739 = tpu.memref_slice %arg4[%mul3A_2, %dma_wait3A_737, %dma_wait3A_738] : memref<16384x50x128xf32, #tpu.memory_space<hbm>> -> memref<1x50x128xf32, #tpu.memory_space<hbm>>
      %dma_wait3A_740 = tpu.memref_squeeze %dma_wait3A_739 : memref<1x50x128xf32, #tpu.memory_space<hbm>> -> memref<50x128xf32, #tpu.memory_space<hbm>>
      %dma_wait3A_741 = arith.constant 0 : i32
      %dma_wait3A_742 = arith.constant 0 : i32
      %dma_wait3A_743 = tpu.memref_slice %arg4[%mul3A_2, %dma_wait3A_741, %dma_wait3A_742] : memref<16384x50x128xf32, #tpu.memory_space<hbm>> -> memref<1x50x128xf32, #tpu.memory_space<hbm>>
      %dma_wait3A_744 = tpu.memref_squeeze %dma_wait3A_743 : memref<1x50x128xf32, #tpu.memory_space<hbm>> -> memref<50x128xf32, #tpu.memory_space<hbm>>
      %dma_wait3A_745 = arith.constant 0 : i32
      %dma_wait3A_746 = arith.constant 0 : i32
      %dma_wait3A_747 = tpu.memref_slice %arg6[%dma_wait3A_729, %dma_wait3A_745, %dma_wait3A_746] : memref<4x112x128xf32, #tpu.memory_space<vmem>> -> memref<1x112x128xf32, #tpu.memory_space<vmem>>
      %dma_wait3A_748 = tpu.memref_squeeze %dma_wait3A_747 : memref<1x112x128xf32, #tpu.memory_space<vmem>> -> memref<112x128xf32, #tpu.memory_space<vmem>>
      %dma_wait3A_749 = arith.constant 0 : i32
      %dma_wait3A_750 = arith.constant 0 : i32
      %dma_wait3A_751 = tpu.memref_slice %dma_wait3A_748[%dma_wait3A_749, %dma_wait3A_750] : memref<112x128xf32, #tpu.memory_space<vmem>> -> memref<50x128xf32, #tpu.memory_space<vmem>>
      tpu.wait_dma2 semaphore(%arg12 : memref<!tpu.dma_semaphore, #tpu.memory_space<semaphore_mem>>) src(%dma_wait3A_751 : memref<50x128xf32, #tpu.memory_space<vmem>>) dst(%dma_wait3A_744 : memref<50x128xf32, #tpu.memory_space<hbm>>)
      %dma_wait3A_752 = arith.constant 0 : i32
      %dma_wait3A_753 = arith.constant 0 : i32
      %dma_wait3A_754 = arith.constant 0 : i32
      %dma_wait3A_755 = tpu.memref_slice %arg6[%dma_wait3A_752, %dma_wait3A_753, %dma_wait3A_754] : memref<4x112x128xf32, #tpu.memory_space<vmem>> -> memref<1x112x128xf32, #tpu.memory_space<vmem>>
      %dma_wait3A_756 = tpu.memref_squeeze %dma_wait3A_755 : memref<1x112x128xf32, #tpu.memory_space<vmem>> -> memref<112x128xf32, #tpu.memory_space<vmem>>
      %dma_wait3A_757 = arith.constant 56 : i32
      %dma_wait3A_758 = arith.constant 0 : i32
      %dma_wait3A_759 = tpu.memref_slice %dma_wait3A_756[%dma_wait3A_757, %dma_wait3A_758] : memref<112x128xf32, #tpu.memory_space<vmem>> -> memref<50x128xf32, #tpu.memory_space<vmem>>
      %dma_wait3A_760 = arith.constant 0 : i32
      %dma_wait3A_761 = arith.constant 0 : i32
      %dma_wait3A_762 = tpu.memref_slice %arg4[%mul3A_2, %dma_wait3A_760, %dma_wait3A_761] : memref<16384x50x128xf32, #tpu.memory_space<hbm>> -> memref<1x50x128xf32, #tpu.memory_space<hbm>>
      %dma_wait3A_763 = tpu.memref_squeeze %dma_wait3A_762 : memref<1x50x128xf32, #tpu.memory_space<hbm>> -> memref<50x128xf32, #tpu.memory_space<hbm>>
      %dma_wait3A_764 = arith.constant 0 : i32
      %dma_wait3A_765 = arith.constant 0 : i32
      %dma_wait3A_766 = tpu.memref_slice %arg4[%mul3A_2, %dma_wait3A_764, %dma_wait3A_765] : memref<16384x50x128xf32, #tpu.memory_space<hbm>> -> memref<1x50x128xf32, #tpu.memory_space<hbm>>
      %dma_wait3A_767 = tpu.memref_squeeze %dma_wait3A_766 : memref<1x50x128xf32, #tpu.memory_space<hbm>> -> memref<50x128xf32, #tpu.memory_space<hbm>>
      %dma_wait3A_768 = arith.constant 0 : i32
      %dma_wait3A_769 = arith.constant 0 : i32
      %dma_wait3A_770 = tpu.memref_slice %arg6[%dma_wait3A_752, %dma_wait3A_768, %dma_wait3A_769] : memref<4x112x128xf32, #tpu.memory_space<vmem>> -> memref<1x112x128xf32, #tpu.memory_space<vmem>>
      %dma_wait3A_771 = tpu.memref_squeeze %dma_wait3A_770 : memref<1x112x128xf32, #tpu.memory_space<vmem>> -> memref<112x128xf32, #tpu.memory_space<vmem>>
      %dma_wait3A_772 = arith.constant 56 : i32
      %dma_wait3A_773 = arith.constant 0 : i32
      %dma_wait3A_774 = tpu.memref_slice %dma_wait3A_771[%dma_wait3A_772, %dma_wait3A_773] : memref<112x128xf32, #tpu.memory_space<vmem>> -> memref<50x128xf32, #tpu.memory_space<vmem>>
      tpu.wait_dma2 semaphore(%arg12 : memref<!tpu.dma_semaphore, #tpu.memory_space<semaphore_mem>>) src(%dma_wait3A_774 : memref<50x128xf32, #tpu.memory_space<vmem>>) dst(%dma_wait3A_767 : memref<50x128xf32, #tpu.memory_space<hbm>>)
      %add3A_775 = arith.constant 4 : i32
      %add3A_776 = arith.addi %mul3A_476, %add3A_775 : i32
      %add3A_777 = arith.constant 0 : i32
      %add3A_778 = arith.addi %add3A_776, %add3A_777 : i32
      %mul3A_779 = arith.constant 112 : i32
      %mul3A_780 = arith.muli %add3A_778, %mul3A_779 : i32
      %dma_start3A_781 = arith.constant 0 : i32
      %dma_start3A_782 = arith.constant 0 : i32
      %dma_start3A_783 = arith.constant 0 : i32
      %dma_start3A_784 = tpu.memref_slice %arg6[%dma_start3A_781, %dma_start3A_782, %dma_start3A_783] : memref<4x112x128xf32, #tpu.memory_space<vmem>> -> memref<1x112x128xf32, #tpu.memory_space<vmem>>
      %dma_start3A_785 = tpu.memref_squeeze %dma_start3A_784 : memref<1x112x128xf32, #tpu.memory_space<vmem>> -> memref<112x128xf32, #tpu.memory_space<vmem>>
      %dma_start3A_786 = tpu.memref_slice %arg5[%mul3A_780] : memref<28672xi32, #tpu.memory_space<vmem>> -> memref<112xi32, #tpu.memory_space<vmem>>
      %dma_start3A_787 = arith.constant 0 : i32
      %dma_start3A_788 = arith.constant 0 : i32
      %dma_start3A_789 = tpu.memref_slice %arg7[%dma_start3A_787, %dma_start3A_788] : memref<312x128xf32, #tpu.memory_space<vmem_shared>> -> memref<312x128xf32, #tpu.memory_space<vmem_shared>>
      tpu.enqueue_indirect_dma source(%dma_start3A_789 : memref<312x128xf32, #tpu.memory_space<vmem_shared>>) target(%dma_start3A_785 : memref<112x128xf32, #tpu.memory_space<vmem>>) offsets(%dma_start3A_786 : memref<112xi32, #tpu.memory_space<vmem>>) semaphore(%arg8 : memref<!tpu.dma_semaphore, #tpu.memory_space<semaphore_mem>>)
      %dma_wait3A_790 = arith.constant 1 : i32
      %dma_wait3A_791 = arith.constant 0 : i32
      %dma_wait3A_792 = arith.constant 0 : i32
      %dma_wait3A_793 = tpu.memref_slice %arg6[%dma_wait3A_790, %dma_wait3A_791, %dma_wait3A_792] : memref<4x112x128xf32, #tpu.memory_space<vmem>> -> memref<1x112x128xf32, #tpu.memory_space<vmem>>
      %dma_wait3A_794 = tpu.memref_squeeze %dma_wait3A_793 : memref<1x112x128xf32, #tpu.memory_space<vmem>> -> memref<112x128xf32, #tpu.memory_space<vmem>>
      %dma_wait3A_795 = arith.constant 0 : i32
      %dma_wait3A_796 = arith.constant 0 : i32
      %dma_wait3A_797 = tpu.memref_slice %dma_wait3A_794[%dma_wait3A_795, %dma_wait3A_796] : memref<112x128xf32, #tpu.memory_space<vmem>> -> memref<50x128xf32, #tpu.memory_space<vmem>>
      %dma_wait3A_798 = arith.constant 0 : i32
      %dma_wait3A_799 = arith.constant 0 : i32
      %dma_wait3A_800 = tpu.memref_slice %arg4[%mul3A_2, %dma_wait3A_798, %dma_wait3A_799] : memref<16384x50x128xf32, #tpu.memory_space<hbm>> -> memref<1x50x128xf32, #tpu.memory_space<hbm>>
      %dma_wait3A_801 = tpu.memref_squeeze %dma_wait3A_800 : memref<1x50x128xf32, #tpu.memory_space<hbm>> -> memref<50x128xf32, #tpu.memory_space<hbm>>
      %dma_wait3A_802 = arith.constant 0 : i32
      %dma_wait3A_803 = arith.constant 0 : i32
      %dma_wait3A_804 = tpu.memref_slice %arg4[%mul3A_2, %dma_wait3A_802, %dma_wait3A_803] : memref<16384x50x128xf32, #tpu.memory_space<hbm>> -> memref<1x50x128xf32, #tpu.memory_space<hbm>>
      %dma_wait3A_805 = tpu.memref_squeeze %dma_wait3A_804 : memref<1x50x128xf32, #tpu.memory_space<hbm>> -> memref<50x128xf32, #tpu.memory_space<hbm>>
      %dma_wait3A_806 = arith.constant 0 : i32
      %dma_wait3A_807 = arith.constant 0 : i32
      %dma_wait3A_808 = tpu.memref_slice %arg6[%dma_wait3A_790, %dma_wait3A_806, %dma_wait3A_807] : memref<4x112x128xf32, #tpu.memory_space<vmem>> -> memref<1x112x128xf32, #tpu.memory_space<vmem>>
      %dma_wait3A_809 = tpu.memref_squeeze %dma_wait3A_808 : memref<1x112x128xf32, #tpu.memory_space<vmem>> -> memref<112x128xf32, #tpu.memory_space<vmem>>
      %dma_wait3A_810 = arith.constant 0 : i32
      %dma_wait3A_811 = arith.constant 0 : i32
      %dma_wait3A_812 = tpu.memref_slice %dma_wait3A_809[%dma_wait3A_810, %dma_wait3A_811] : memref<112x128xf32, #tpu.memory_space<vmem>> -> memref<50x128xf32, #tpu.memory_space<vmem>>
      tpu.wait_dma2 semaphore(%arg13 : memref<!tpu.dma_semaphore, #tpu.memory_space<semaphore_mem>>) src(%dma_wait3A_812 : memref<50x128xf32, #tpu.memory_space<vmem>>) dst(%dma_wait3A_805 : memref<50x128xf32, #tpu.memory_space<hbm>>)
      %dma_wait3A_813 = arith.constant 1 : i32
      %dma_wait3A_814 = arith.constant 0 : i32
      %dma_wait3A_815 = arith.constant 0 : i32
      %dma_wait3A_816 = tpu.memref_slice %arg6[%dma_wait3A_813, %dma_wait3A_814, %dma_wait3A_815] : memref<4x112x128xf32, #tpu.memory_space<vmem>> -> memref<1x112x128xf32, #tpu.memory_space<vmem>>
      %dma_wait3A_817 = tpu.memref_squeeze %dma_wait3A_816 : memref<1x112x128xf32, #tpu.memory_space<vmem>> -> memref<112x128xf32, #tpu.memory_space<vmem>>
      %dma_wait3A_818 = arith.constant 56 : i32
      %dma_wait3A_819 = arith.constant 0 : i32
      %dma_wait3A_820 = tpu.memref_slice %dma_wait3A_817[%dma_wait3A_818, %dma_wait3A_819] : memref<112x128xf32, #tpu.memory_space<vmem>> -> memref<50x128xf32, #tpu.memory_space<vmem>>
      %dma_wait3A_821 = arith.constant 0 : i32
      %dma_wait3A_822 = arith.constant 0 : i32
      %dma_wait3A_823 = tpu.memref_slice %arg4[%mul3A_2, %dma_wait3A_821, %dma_wait3A_822] : memref<16384x50x128xf32, #tpu.memory_space<hbm>> -> memref<1x50x128xf32, #tpu.memory_space<hbm>>
      %dma_wait3A_824 = tpu.memref_squeeze %dma_wait3A_823 : memref<1x50x128xf32, #tpu.memory_space<hbm>> -> memref<50x128xf32, #tpu.memory_space<hbm>>
      %dma_wait3A_825 = arith.constant 0 : i32
      %dma_wait3A_826 = arith.constant 0 : i32
      %dma_wait3A_827 = tpu.memref_slice %arg4[%mul3A_2, %dma_wait3A_825, %dma_wait3A_826] : memref<16384x50x128xf32, #tpu.memory_space<hbm>> -> memref<1x50x128xf32, #tpu.memory_space<hbm>>
      %dma_wait3A_828 = tpu.memref_squeeze %dma_wait3A_827 : memref<1x50x128xf32, #tpu.memory_space<hbm>> -> memref<50x128xf32, #tpu.memory_space<hbm>>
      %dma_wait3A_829 = arith.constant 0 : i32
      %dma_wait3A_830 = arith.constant 0 : i32
      %dma_wait3A_831 = tpu.memref_slice %arg6[%dma_wait3A_813, %dma_wait3A_829, %dma_wait3A_830] : memref<4x112x128xf32, #tpu.memory_space<vmem>> -> memref<1x112x128xf32, #tpu.memory_space<vmem>>
      %dma_wait3A_832 = tpu.memref_squeeze %dma_wait3A_831 : memref<1x112x128xf32, #tpu.memory_space<vmem>> -> memref<112x128xf32, #tpu.memory_space<vmem>>
      %dma_wait3A_833 = arith.constant 56 : i32
      %dma_wait3A_834 = arith.constant 0 : i32
      %dma_wait3A_835 = tpu.memref_slice %dma_wait3A_832[%dma_wait3A_833, %dma_wait3A_834] : memref<112x128xf32, #tpu.memory_space<vmem>> -> memref<50x128xf32, #tpu.memory_space<vmem>>
      tpu.wait_dma2 semaphore(%arg13 : memref<!tpu.dma_semaphore, #tpu.memory_space<semaphore_mem>>) src(%dma_wait3A_835 : memref<50x128xf32, #tpu.memory_space<vmem>>) dst(%dma_wait3A_828 : memref<50x128xf32, #tpu.memory_space<hbm>>)
      %add3A_836 = arith.constant 4 : i32
      %add3A_837 = arith.addi %mul3A_476, %add3A_836 : i32
      %add3A_838 = arith.constant 1 : i32
      %add3A_839 = arith.addi %add3A_837, %add3A_838 : i32
      %mul3A_840 = arith.constant 112 : i32
      %mul3A_841 = arith.muli %add3A_839, %mul3A_840 : i32
      %dma_start3A_842 = arith.constant 1 : i32
      %dma_start3A_843 = arith.constant 0 : i32
      %dma_start3A_844 = arith.constant 0 : i32
      %dma_start3A_845 = tpu.memref_slice %arg6[%dma_start3A_842, %dma_start3A_843, %dma_start3A_844] : memref<4x112x128xf32, #tpu.memory_space<vmem>> -> memref<1x112x128xf32, #tpu.memory_space<vmem>>
      %dma_start3A_846 = tpu.memref_squeeze %dma_start3A_845 : memref<1x112x128xf32, #tpu.memory_space<vmem>> -> memref<112x128xf32, #tpu.memory_space<vmem>>
      %dma_start3A_847 = tpu.memref_slice %arg5[%mul3A_841] : memref<28672xi32, #tpu.memory_space<vmem>> -> memref<112xi32, #tpu.memory_space<vmem>>
      %dma_start3A_848 = arith.constant 0 : i32
      %dma_start3A_849 = arith.constant 0 : i32
      %dma_start3A_850 = tpu.memref_slice %arg7[%dma_start3A_848, %dma_start3A_849] : memref<312x128xf32, #tpu.memory_space<vmem_shared>> -> memref<312x128xf32, #tpu.memory_space<vmem_shared>>
      tpu.enqueue_indirect_dma source(%dma_start3A_850 : memref<312x128xf32, #tpu.memory_space<vmem_shared>>) target(%dma_start3A_846 : memref<112x128xf32, #tpu.memory_space<vmem>>) offsets(%dma_start3A_847 : memref<112xi32, #tpu.memory_space<vmem>>) semaphore(%arg9 : memref<!tpu.dma_semaphore, #tpu.memory_space<semaphore_mem>>)
      %dma_wait3A_851 = arith.constant 2 : i32
      %dma_wait3A_852 = arith.constant 0 : i32
      %dma_wait3A_853 = arith.constant 0 : i32
      %dma_wait3A_854 = tpu.memref_slice %arg6[%dma_wait3A_851, %dma_wait3A_852, %dma_wait3A_853] : memref<4x112x128xf32, #tpu.memory_space<vmem>> -> memref<1x112x128xf32, #tpu.memory_space<vmem>>
      %dma_wait3A_855 = tpu.memref_squeeze %dma_wait3A_854 : memref<1x112x128xf32, #tpu.memory_space<vmem>> -> memref<112x128xf32, #tpu.memory_space<vmem>>
      %dma_wait3A_856 = arith.constant 0 : i32
      %dma_wait3A_857 = arith.constant 0 : i32
      %dma_wait3A_858 = tpu.memref_slice %dma_wait3A_855[%dma_wait3A_856, %dma_wait3A_857] : memref<112x128xf32, #tpu.memory_space<vmem>> -> memref<50x128xf32, #tpu.memory_space<vmem>>
      %dma_wait3A_859 = arith.constant 0 : i32
      %dma_wait3A_860 = arith.constant 0 : i32
      %dma_wait3A_861 = tpu.memref_slice %arg4[%mul3A_2, %dma_wait3A_859, %dma_wait3A_860] : memref<16384x50x128xf32, #tpu.memory_space<hbm>> -> memref<1x50x128xf32, #tpu.memory_space<hbm>>
      %dma_wait3A_862 = tpu.memref_squeeze %dma_wait3A_861 : memref<1x50x128xf32, #tpu.memory_space<hbm>> -> memref<50x128xf32, #tpu.memory_space<hbm>>
      %dma_wait3A_863 = arith.constant 0 : i32
      %dma_wait3A_864 = arith.constant 0 : i32
      %dma_wait3A_865 = tpu.memref_slice %arg4[%mul3A_2, %dma_wait3A_863, %dma_wait3A_864] : memref<16384x50x128xf32, #tpu.memory_space<hbm>> -> memref<1x50x128xf32, #tpu.memory_space<hbm>>
      %dma_wait3A_866 = tpu.memref_squeeze %dma_wait3A_865 : memref<1x50x128xf32, #tpu.memory_space<hbm>> -> memref<50x128xf32, #tpu.memory_space<hbm>>
      %dma_wait3A_867 = arith.constant 0 : i32
      %dma_wait3A_868 = arith.constant 0 : i32
      %dma_wait3A_869 = tpu.memref_slice %arg6[%dma_wait3A_851, %dma_wait3A_867, %dma_wait3A_868] : memref<4x112x128xf32, #tpu.memory_space<vmem>> -> memref<1x112x128xf32, #tpu.memory_space<vmem>>
      %dma_wait3A_870 = tpu.memref_squeeze %dma_wait3A_869 : memref<1x112x128xf32, #tpu.memory_space<vmem>> -> memref<112x128xf32, #tpu.memory_space<vmem>>
      %dma_wait3A_871 = arith.constant 0 : i32
      %dma_wait3A_872 = arith.constant 0 : i32
      %dma_wait3A_873 = tpu.memref_slice %dma_wait3A_870[%dma_wait3A_871, %dma_wait3A_872] : memref<112x128xf32, #tpu.memory_space<vmem>> -> memref<50x128xf32, #tpu.memory_space<vmem>>
      tpu.wait_dma2 semaphore(%arg14 : memref<!tpu.dma_semaphore, #tpu.memory_space<semaphore_mem>>) src(%dma_wait3A_873 : memref<50x128xf32, #tpu.memory_space<vmem>>) dst(%dma_wait3A_866 : memref<50x128xf32, #tpu.memory_space<hbm>>)
      %dma_wait3A_874 = arith.constant 2 : i32
      %dma_wait3A_875 = arith.constant 0 : i32
      %dma_wait3A_876 = arith.constant 0 : i32
      %dma_wait3A_877 = tpu.memref_slice %arg6[%dma_wait3A_874, %dma_wait3A_875, %dma_wait3A_876] : memref<4x112x128xf32, #tpu.memory_space<vmem>> -> memref<1x112x128xf32, #tpu.memory_space<vmem>>
      %dma_wait3A_878 = tpu.memref_squeeze %dma_wait3A_877 : memref<1x112x128xf32, #tpu.memory_space<vmem>> -> memref<112x128xf32, #tpu.memory_space<vmem>>
      %dma_wait3A_879 = arith.constant 56 : i32
      %dma_wait3A_880 = arith.constant 0 : i32
      %dma_wait3A_881 = tpu.memref_slice %dma_wait3A_878[%dma_wait3A_879, %dma_wait3A_880] : memref<112x128xf32, #tpu.memory_space<vmem>> -> memref<50x128xf32, #tpu.memory_space<vmem>>
      %dma_wait3A_882 = arith.constant 0 : i32
      %dma_wait3A_883 = arith.constant 0 : i32
      %dma_wait3A_884 = tpu.memref_slice %arg4[%mul3A_2, %dma_wait3A_882, %dma_wait3A_883] : memref<16384x50x128xf32, #tpu.memory_space<hbm>> -> memref<1x50x128xf32, #tpu.memory_space<hbm>>
      %dma_wait3A_885 = tpu.memref_squeeze %dma_wait3A_884 : memref<1x50x128xf32, #tpu.memory_space<hbm>> -> memref<50x128xf32, #tpu.memory_space<hbm>>
      %dma_wait3A_886 = arith.constant 0 : i32
      %dma_wait3A_887 = arith.constant 0 : i32
      %dma_wait3A_888 = tpu.memref_slice %arg4[%mul3A_2, %dma_wait3A_886, %dma_wait3A_887] : memref<16384x50x128xf32, #tpu.memory_space<hbm>> -> memref<1x50x128xf32, #tpu.memory_space<hbm>>
      %dma_wait3A_889 = tpu.memref_squeeze %dma_wait3A_888 : memref<1x50x128xf32, #tpu.memory_space<hbm>> -> memref<50x128xf32, #tpu.memory_space<hbm>>
      %dma_wait3A_890 = arith.constant 0 : i32
      %dma_wait3A_891 = arith.constant 0 : i32
      %dma_wait3A_892 = tpu.memref_slice %arg6[%dma_wait3A_874, %dma_wait3A_890, %dma_wait3A_891] : memref<4x112x128xf32, #tpu.memory_space<vmem>> -> memref<1x112x128xf32, #tpu.memory_space<vmem>>
      %dma_wait3A_893 = tpu.memref_squeeze %dma_wait3A_892 : memref<1x112x128xf32, #tpu.memory_space<vmem>> -> memref<112x128xf32, #tpu.memory_space<vmem>>
      %dma_wait3A_894 = arith.constant 56 : i32
      %dma_wait3A_895 = arith.constant 0 : i32
      %dma_wait3A_896 = tpu.memref_slice %dma_wait3A_893[%dma_wait3A_894, %dma_wait3A_895] : memref<112x128xf32, #tpu.memory_space<vmem>> -> memref<50x128xf32, #tpu.memory_space<vmem>>
      tpu.wait_dma2 semaphore(%arg14 : memref<!tpu.dma_semaphore, #tpu.memory_space<semaphore_mem>>) src(%dma_wait3A_896 : memref<50x128xf32, #tpu.memory_space<vmem>>) dst(%dma_wait3A_889 : memref<50x128xf32, #tpu.memory_space<hbm>>)
      %add3A_897 = arith.constant 4 : i32
      %add3A_898 = arith.addi %mul3A_476, %add3A_897 : i32
      %add3A_899 = arith.constant 2 : i32
      %add3A_900 = arith.addi %add3A_898, %add3A_899 : i32
      %mul3A_901 = arith.constant 112 : i32
      %mul3A_902 = arith.muli %add3A_900, %mul3A_901 : i32
      %dma_start3A_903 = arith.constant 2 : i32
      %dma_start3A_904 = arith.constant 0 : i32
      %dma_start3A_905 = arith.constant 0 : i32
      %dma_start3A_906 = tpu.memref_slice %arg6[%dma_start3A_903, %dma_start3A_904, %dma_start3A_905] : memref<4x112x128xf32, #tpu.memory_space<vmem>> -> memref<1x112x128xf32, #tpu.memory_space<vmem>>
      %dma_start3A_907 = tpu.memref_squeeze %dma_start3A_906 : memref<1x112x128xf32, #tpu.memory_space<vmem>> -> memref<112x128xf32, #tpu.memory_space<vmem>>
      %dma_start3A_908 = tpu.memref_slice %arg5[%mul3A_902] : memref<28672xi32, #tpu.memory_space<vmem>> -> memref<112xi32, #tpu.memory_space<vmem>>
      %dma_start3A_909 = arith.constant 0 : i32
      %dma_start3A_910 = arith.constant 0 : i32
      %dma_start3A_911 = tpu.memref_slice %arg7[%dma_start3A_909, %dma_start3A_910] : memref<312x128xf32, #tpu.memory_space<vmem_shared>> -> memref<312x128xf32, #tpu.memory_space<vmem_shared>>
      tpu.enqueue_indirect_dma source(%dma_start3A_911 : memref<312x128xf32, #tpu.memory_space<vmem_shared>>) target(%dma_start3A_907 : memref<112x128xf32, #tpu.memory_space<vmem>>) offsets(%dma_start3A_908 : memref<112xi32, #tpu.memory_space<vmem>>) semaphore(%arg10 : memref<!tpu.dma_semaphore, #tpu.memory_space<semaphore_mem>>)
      %dma_wait3A_912 = arith.constant 3 : i32
      %dma_wait3A_913 = arith.constant 0 : i32
      %dma_wait3A_914 = arith.constant 0 : i32
      %dma_wait3A_915 = tpu.memref_slice %arg6[%dma_wait3A_912, %dma_wait3A_913, %dma_wait3A_914] : memref<4x112x128xf32, #tpu.memory_space<vmem>> -> memref<1x112x128xf32, #tpu.memory_space<vmem>>
      %dma_wait3A_916 = tpu.memref_squeeze %dma_wait3A_915 : memref<1x112x128xf32, #tpu.memory_space<vmem>> -> memref<112x128xf32, #tpu.memory_space<vmem>>
      %dma_wait3A_917 = arith.constant 0 : i32
      %dma_wait3A_918 = arith.constant 0 : i32
      %dma_wait3A_919 = tpu.memref_slice %dma_wait3A_916[%dma_wait3A_917, %dma_wait3A_918] : memref<112x128xf32, #tpu.memory_space<vmem>> -> memref<50x128xf32, #tpu.memory_space<vmem>>
      %dma_wait3A_920 = arith.constant 0 : i32
      %dma_wait3A_921 = arith.constant 0 : i32
      %dma_wait3A_922 = tpu.memref_slice %arg4[%mul3A_2, %dma_wait3A_920, %dma_wait3A_921] : memref<16384x50x128xf32, #tpu.memory_space<hbm>> -> memref<1x50x128xf32, #tpu.memory_space<hbm>>
      %dma_wait3A_923 = tpu.memref_squeeze %dma_wait3A_922 : memref<1x50x128xf32, #tpu.memory_space<hbm>> -> memref<50x128xf32, #tpu.memory_space<hbm>>
      %dma_wait3A_924 = arith.constant 0 : i32
      %dma_wait3A_925 = arith.constant 0 : i32
      %dma_wait3A_926 = tpu.memref_slice %arg4[%mul3A_2, %dma_wait3A_924, %dma_wait3A_925] : memref<16384x50x128xf32, #tpu.memory_space<hbm>> -> memref<1x50x128xf32, #tpu.memory_space<hbm>>
      %dma_wait3A_927 = tpu.memref_squeeze %dma_wait3A_926 : memref<1x50x128xf32, #tpu.memory_space<hbm>> -> memref<50x128xf32, #tpu.memory_space<hbm>>
      %dma_wait3A_928 = arith.constant 0 : i32
      %dma_wait3A_929 = arith.constant 0 : i32
      %dma_wait3A_930 = tpu.memref_slice %arg6[%dma_wait3A_912, %dma_wait3A_928, %dma_wait3A_929] : memref<4x112x128xf32, #tpu.memory_space<vmem>> -> memref<1x112x128xf32, #tpu.memory_space<vmem>>
      %dma_wait3A_931 = tpu.memref_squeeze %dma_wait3A_930 : memref<1x112x128xf32, #tpu.memory_space<vmem>> -> memref<112x128xf32, #tpu.memory_space<vmem>>
      %dma_wait3A_932 = arith.constant 0 : i32
      %dma_wait3A_933 = arith.constant 0 : i32
      %dma_wait3A_934 = tpu.memref_slice %dma_wait3A_931[%dma_wait3A_932, %dma_wait3A_933] : memref<112x128xf32, #tpu.memory_space<vmem>> -> memref<50x128xf32, #tpu.memory_space<vmem>>
      tpu.wait_dma2 semaphore(%arg15 : memref<!tpu.dma_semaphore, #tpu.memory_space<semaphore_mem>>) src(%dma_wait3A_934 : memref<50x128xf32, #tpu.memory_space<vmem>>) dst(%dma_wait3A_927 : memref<50x128xf32, #tpu.memory_space<hbm>>)
      %dma_wait3A_935 = arith.constant 3 : i32
      %dma_wait3A_936 = arith.constant 0 : i32
      %dma_wait3A_937 = arith.constant 0 : i32
      %dma_wait3A_938 = tpu.memref_slice %arg6[%dma_wait3A_935, %dma_wait3A_936, %dma_wait3A_937] : memref<4x112x128xf32, #tpu.memory_space<vmem>> -> memref<1x112x128xf32, #tpu.memory_space<vmem>>
      %dma_wait3A_939 = tpu.memref_squeeze %dma_wait3A_938 : memref<1x112x128xf32, #tpu.memory_space<vmem>> -> memref<112x128xf32, #tpu.memory_space<vmem>>
      %dma_wait3A_940 = arith.constant 56 : i32
      %dma_wait3A_941 = arith.constant 0 : i32
      %dma_wait3A_942 = tpu.memref_slice %dma_wait3A_939[%dma_wait3A_940, %dma_wait3A_941] : memref<112x128xf32, #tpu.memory_space<vmem>> -> memref<50x128xf32, #tpu.memory_space<vmem>>
      %dma_wait3A_943 = arith.constant 0 : i32
      %dma_wait3A_944 = arith.constant 0 : i32
      %dma_wait3A_945 = tpu.memref_slice %arg4[%mul3A_2, %dma_wait3A_943, %dma_wait3A_944] : memref<16384x50x128xf32, #tpu.memory_space<hbm>> -> memref<1x50x128xf32, #tpu.memory_space<hbm>>
      %dma_wait3A_946 = tpu.memref_squeeze %dma_wait3A_945 : memref<1x50x128xf32, #tpu.memory_space<hbm>> -> memref<50x128xf32, #tpu.memory_space<hbm>>
      %dma_wait3A_947 = arith.constant 0 : i32
      %dma_wait3A_948 = arith.constant 0 : i32
      %dma_wait3A_949 = tpu.memref_slice %arg4[%mul3A_2, %dma_wait3A_947, %dma_wait3A_948] : memref<16384x50x128xf32, #tpu.memory_space<hbm>> -> memref<1x50x128xf32, #tpu.memory_space<hbm>>
      %dma_wait3A_950 = tpu.memref_squeeze %dma_wait3A_949 : memref<1x50x128xf32, #tpu.memory_space<hbm>> -> memref<50x128xf32, #tpu.memory_space<hbm>>
      %dma_wait3A_951 = arith.constant 0 : i32
      %dma_wait3A_952 = arith.constant 0 : i32
      %dma_wait3A_953 = tpu.memref_slice %arg6[%dma_wait3A_935, %dma_wait3A_951, %dma_wait3A_952] : memref<4x112x128xf32, #tpu.memory_space<vmem>> -> memref<1x112x128xf32, #tpu.memory_space<vmem>>
      %dma_wait3A_954 = tpu.memref_squeeze %dma_wait3A_953 : memref<1x112x128xf32, #tpu.memory_space<vmem>> -> memref<112x128xf32, #tpu.memory_space<vmem>>
      %dma_wait3A_955 = arith.constant 56 : i32
      %dma_wait3A_956 = arith.constant 0 : i32
      %dma_wait3A_957 = tpu.memref_slice %dma_wait3A_954[%dma_wait3A_955, %dma_wait3A_956] : memref<112x128xf32, #tpu.memory_space<vmem>> -> memref<50x128xf32, #tpu.memory_space<vmem>>
      tpu.wait_dma2 semaphore(%arg15 : memref<!tpu.dma_semaphore, #tpu.memory_space<semaphore_mem>>) src(%dma_wait3A_957 : memref<50x128xf32, #tpu.memory_space<vmem>>) dst(%dma_wait3A_950 : memref<50x128xf32, #tpu.memory_space<hbm>>)
      %add3A_958 = arith.constant 4 : i32
      %add3A_959 = arith.addi %mul3A_476, %add3A_958 : i32
      %add3A_960 = arith.constant 3 : i32
      %add3A_961 = arith.addi %add3A_959, %add3A_960 : i32
      %mul3A_962 = arith.constant 112 : i32
      %mul3A_963 = arith.muli %add3A_961, %mul3A_962 : i32
      %dma_start3A_964 = arith.constant 3 : i32
      %dma_start3A_965 = arith.constant 0 : i32
      %dma_start3A_966 = arith.constant 0 : i32
      %dma_start3A_967 = tpu.memref_slice %arg6[%dma_start3A_964, %dma_start3A_965, %dma_start3A_966] : memref<4x112x128xf32, #tpu.memory_space<vmem>> -> memref<1x112x128xf32, #tpu.memory_space<vmem>>
      %dma_start3A_968 = tpu.memref_squeeze %dma_start3A_967 : memref<1x112x128xf32, #tpu.memory_space<vmem>> -> memref<112x128xf32, #tpu.memory_space<vmem>>
      %dma_start3A_969 = tpu.memref_slice %arg5[%mul3A_963] : memref<28672xi32, #tpu.memory_space<vmem>> -> memref<112xi32, #tpu.memory_space<vmem>>
      %dma_start3A_970 = arith.constant 0 : i32
      %dma_start3A_971 = arith.constant 0 : i32
      %dma_start3A_972 = tpu.memref_slice %arg7[%dma_start3A_970, %dma_start3A_971] : memref<312x128xf32, #tpu.memory_space<vmem_shared>> -> memref<312x128xf32, #tpu.memory_space<vmem_shared>>
      tpu.enqueue_indirect_dma source(%dma_start3A_972 : memref<312x128xf32, #tpu.memory_space<vmem_shared>>) target(%dma_start3A_968 : memref<112x128xf32, #tpu.memory_space<vmem>>) offsets(%dma_start3A_969 : memref<112xi32, #tpu.memory_space<vmem>>) semaphore(%arg11 : memref<!tpu.dma_semaphore, #tpu.memory_space<semaphore_mem>>)
    }
    %scan3A_50 = arith.constant 63 : i32
    %dma_wait3A = arith.constant 0 : i32
    %dma_wait3A_51 = arith.constant 0 : i32
    %dma_wait3A_52 = arith.constant 0 : i32
    %dma_wait3A_53 = tpu.memref_slice %arg6[%dma_wait3A, %dma_wait3A_51, %dma_wait3A_52] : memref<4x112x128xf32, #tpu.memory_space<vmem>> -> memref<1x112x128xf32, #tpu.memory_space<vmem>>
    %dma_wait3A_54 = tpu.memref_squeeze %dma_wait3A_53 : memref<1x112x128xf32, #tpu.memory_space<vmem>> -> memref<112x128xf32, #tpu.memory_space<vmem>>
    %dma_wait3A_55 = arith.constant 0 : i32
    %dma_wait3A_56 = tpu.memref_slice %arg5[%dma_wait3A_55] : memref<28672xi32, #tpu.memory_space<vmem>> -> memref<112xi32, #tpu.memory_space<vmem>>
    %dma_wait3A_57 = arith.constant 0 : i32
    %dma_wait3A_58 = arith.constant 0 : i32
    %dma_wait3A_59 = tpu.memref_slice %arg7[%dma_wait3A_57, %dma_wait3A_58] : memref<312x128xf32, #tpu.memory_space<vmem_shared>> -> memref<312x128xf32, #tpu.memory_space<vmem_shared>>
    tpu.wait_indirect_dma semaphore(%arg8 : memref<!tpu.dma_semaphore, #tpu.memory_space<semaphore_mem>>) src(%dma_wait3A_59 : memref<312x128xf32, #tpu.memory_space<vmem_shared>>) dst(%dma_wait3A_54 : memref<112x128xf32, #tpu.memory_space<vmem>>)
    %add3A_60 = arith.constant 504 : i32
    %add3A_61 = arith.addi %mul3A_2, %add3A_60 : i32
    %dma_start3A_62 = arith.constant 0 : i32
    %dma_start3A_63 = arith.constant 0 : i32
    %dma_start3A_64 = arith.constant 0 : i32
    %dma_start3A_65 = tpu.memref_slice %arg6[%dma_start3A_62, %dma_start3A_63, %dma_start3A_64] : memref<4x112x128xf32, #tpu.memory_space<vmem>> -> memref<1x112x128xf32, #tpu.memory_space<vmem>>
    %dma_start3A_66 = tpu.memref_squeeze %dma_start3A_65 : memref<1x112x128xf32, #tpu.memory_space<vmem>> -> memref<112x128xf32, #tpu.memory_space<vmem>>
    %dma_start3A_67 = arith.constant 0 : i32
    %dma_start3A_68 = arith.constant 0 : i32
    %dma_start3A_69 = tpu.memref_slice %dma_start3A_66[%dma_start3A_67, %dma_start3A_68] : memref<112x128xf32, #tpu.memory_space<vmem>> -> memref<50x128xf32, #tpu.memory_space<vmem>>
    %dma_start3A_70 = arith.constant 0 : i32
    %dma_start3A_71 = arith.constant 0 : i32
    %dma_start3A_72 = tpu.memref_slice %arg4[%add3A_61, %dma_start3A_70, %dma_start3A_71] : memref<16384x50x128xf32, #tpu.memory_space<hbm>> -> memref<1x50x128xf32, #tpu.memory_space<hbm>>
    %dma_start3A_73 = tpu.memref_squeeze %dma_start3A_72 : memref<1x50x128xf32, #tpu.memory_space<hbm>> -> memref<50x128xf32, #tpu.memory_space<hbm>>
    %dma_start3A_74 = arith.constant 0 : i32
    %dma_start3A_75 = arith.constant 0 : i32
    %dma_start3A_76 = tpu.memref_slice %arg4[%add3A_61, %dma_start3A_74, %dma_start3A_75] : memref<16384x50x128xf32, #tpu.memory_space<hbm>> -> memref<1x50x128xf32, #tpu.memory_space<hbm>>
    %dma_start3A_77 = tpu.memref_squeeze %dma_start3A_76 : memref<1x50x128xf32, #tpu.memory_space<hbm>> -> memref<50x128xf32, #tpu.memory_space<hbm>>
    %dma_start3A_78 = arith.constant 0 : i32
    %dma_start3A_79 = arith.constant 0 : i32
    %dma_start3A_80 = tpu.memref_slice %arg6[%dma_start3A_62, %dma_start3A_78, %dma_start3A_79] : memref<4x112x128xf32, #tpu.memory_space<vmem>> -> memref<1x112x128xf32, #tpu.memory_space<vmem>>
    %dma_start3A_81 = tpu.memref_squeeze %dma_start3A_80 : memref<1x112x128xf32, #tpu.memory_space<vmem>> -> memref<112x128xf32, #tpu.memory_space<vmem>>
    %dma_start3A_82 = arith.constant 0 : i32
    %dma_start3A_83 = arith.constant 0 : i32
    %dma_start3A_84 = tpu.memref_slice %dma_start3A_81[%dma_start3A_82, %dma_start3A_83] : memref<112x128xf32, #tpu.memory_space<vmem>> -> memref<50x128xf32, #tpu.memory_space<vmem>>
    tpu.enqueue_dma source(%dma_start3A_84 : memref<50x128xf32, #tpu.memory_space<vmem>>) target(%dma_start3A_77 : memref<50x128xf32, #tpu.memory_space<hbm>>) target_semaphore(%arg12 : memref<!tpu.dma_semaphore, #tpu.memory_space<semaphore_mem>>)
    %add3A_85 = arith.constant 1 : i32
    %add3A_86 = arith.addi %add3A_61, %add3A_85 : i32
    %dma_start3A_87 = arith.constant 0 : i32
    %dma_start3A_88 = arith.constant 0 : i32
    %dma_start3A_89 = arith.constant 0 : i32
    %dma_start3A_90 = tpu.memref_slice %arg6[%dma_start3A_87, %dma_start3A_88, %dma_start3A_89] : memref<4x112x128xf32, #tpu.memory_space<vmem>> -> memref<1x112x128xf32, #tpu.memory_space<vmem>>
    %dma_start3A_91 = tpu.memref_squeeze %dma_start3A_90 : memref<1x112x128xf32, #tpu.memory_space<vmem>> -> memref<112x128xf32, #tpu.memory_space<vmem>>
    %dma_start3A_92 = arith.constant 56 : i32
    %dma_start3A_93 = arith.constant 0 : i32
    %dma_start3A_94 = tpu.memref_slice %dma_start3A_91[%dma_start3A_92, %dma_start3A_93] : memref<112x128xf32, #tpu.memory_space<vmem>> -> memref<50x128xf32, #tpu.memory_space<vmem>>
    %dma_start3A_95 = arith.constant 0 : i32
    %dma_start3A_96 = arith.constant 0 : i32
    %dma_start3A_97 = tpu.memref_slice %arg4[%add3A_86, %dma_start3A_95, %dma_start3A_96] : memref<16384x50x128xf32, #tpu.memory_space<hbm>> -> memref<1x50x128xf32, #tpu.memory_space<hbm>>
    %dma_start3A_98 = tpu.memref_squeeze %dma_start3A_97 : memref<1x50x128xf32, #tpu.memory_space<hbm>> -> memref<50x128xf32, #tpu.memory_space<hbm>>
    %dma_start3A_99 = arith.constant 0 : i32
    %dma_start3A_100 = arith.constant 0 : i32
    %dma_start3A_101 = tpu.memref_slice %arg4[%add3A_86, %dma_start3A_99, %dma_start3A_100] : memref<16384x50x128xf32, #tpu.memory_space<hbm>> -> memref<1x50x128xf32, #tpu.memory_space<hbm>>
    %dma_start3A_102 = tpu.memref_squeeze %dma_start3A_101 : memref<1x50x128xf32, #tpu.memory_space<hbm>> -> memref<50x128xf32, #tpu.memory_space<hbm>>
    %dma_start3A_103 = arith.constant 0 : i32
    %dma_start3A_104 = arith.constant 0 : i32
    %dma_start3A_105 = tpu.memref_slice %arg6[%dma_start3A_87, %dma_start3A_103, %dma_start3A_104] : memref<4x112x128xf32, #tpu.memory_space<vmem>> -> memref<1x112x128xf32, #tpu.memory_space<vmem>>
    %dma_start3A_106 = tpu.memref_squeeze %dma_start3A_105 : memref<1x112x128xf32, #tpu.memory_space<vmem>> -> memref<112x128xf32, #tpu.memory_space<vmem>>
    %dma_start3A_107 = arith.constant 56 : i32
    %dma_start3A_108 = arith.constant 0 : i32
    %dma_start3A_109 = tpu.memref_slice %dma_start3A_106[%dma_start3A_107, %dma_start3A_108] : memref<112x128xf32, #tpu.memory_space<vmem>> -> memref<50x128xf32, #tpu.memory_space<vmem>>
    tpu.enqueue_dma source(%dma_start3A_109 : memref<50x128xf32, #tpu.memory_space<vmem>>) target(%dma_start3A_102 : memref<50x128xf32, #tpu.memory_space<hbm>>) target_semaphore(%arg12 : memref<!tpu.dma_semaphore, #tpu.memory_space<semaphore_mem>>)
    %dma_wait3A_110 = arith.constant 1 : i32
    %dma_wait3A_111 = arith.constant 0 : i32
    %dma_wait3A_112 = arith.constant 0 : i32
    %dma_wait3A_113 = tpu.memref_slice %arg6[%dma_wait3A_110, %dma_wait3A_111, %dma_wait3A_112] : memref<4x112x128xf32, #tpu.memory_space<vmem>> -> memref<1x112x128xf32, #tpu.memory_space<vmem>>
    %dma_wait3A_114 = tpu.memref_squeeze %dma_wait3A_113 : memref<1x112x128xf32, #tpu.memory_space<vmem>> -> memref<112x128xf32, #tpu.memory_space<vmem>>
    %dma_wait3A_115 = arith.constant 0 : i32
    %dma_wait3A_116 = tpu.memref_slice %arg5[%dma_wait3A_115] : memref<28672xi32, #tpu.memory_space<vmem>> -> memref<112xi32, #tpu.memory_space<vmem>>
    %dma_wait3A_117 = arith.constant 0 : i32
    %dma_wait3A_118 = arith.constant 0 : i32
    %dma_wait3A_119 = tpu.memref_slice %arg7[%dma_wait3A_117, %dma_wait3A_118] : memref<312x128xf32, #tpu.memory_space<vmem_shared>> -> memref<312x128xf32, #tpu.memory_space<vmem_shared>>
    tpu.wait_indirect_dma semaphore(%arg9 : memref<!tpu.dma_semaphore, #tpu.memory_space<semaphore_mem>>) src(%dma_wait3A_119 : memref<312x128xf32, #tpu.memory_space<vmem_shared>>) dst(%dma_wait3A_114 : memref<112x128xf32, #tpu.memory_space<vmem>>)
    %add3A_120 = arith.constant 506 : i32
    %add3A_121 = arith.addi %mul3A_2, %add3A_120 : i32
    %dma_start3A_122 = arith.constant 1 : i32
    %dma_start3A_123 = arith.constant 0 : i32
    %dma_start3A_124 = arith.constant 0 : i32
    %dma_start3A_125 = tpu.memref_slice %arg6[%dma_start3A_122, %dma_start3A_123, %dma_start3A_124] : memref<4x112x128xf32, #tpu.memory_space<vmem>> -> memref<1x112x128xf32, #tpu.memory_space<vmem>>
    %dma_start3A_126 = tpu.memref_squeeze %dma_start3A_125 : memref<1x112x128xf32, #tpu.memory_space<vmem>> -> memref<112x128xf32, #tpu.memory_space<vmem>>
    %dma_start3A_127 = arith.constant 0 : i32
    %dma_start3A_128 = arith.constant 0 : i32
    %dma_start3A_129 = tpu.memref_slice %dma_start3A_126[%dma_start3A_127, %dma_start3A_128] : memref<112x128xf32, #tpu.memory_space<vmem>> -> memref<50x128xf32, #tpu.memory_space<vmem>>
    %dma_start3A_130 = arith.constant 0 : i32
    %dma_start3A_131 = arith.constant 0 : i32
    %dma_start3A_132 = tpu.memref_slice %arg4[%add3A_121, %dma_start3A_130, %dma_start3A_131] : memref<16384x50x128xf32, #tpu.memory_space<hbm>> -> memref<1x50x128xf32, #tpu.memory_space<hbm>>
    %dma_start3A_133 = tpu.memref_squeeze %dma_start3A_132 : memref<1x50x128xf32, #tpu.memory_space<hbm>> -> memref<50x128xf32, #tpu.memory_space<hbm>>
    %dma_start3A_134 = arith.constant 0 : i32
    %dma_start3A_135 = arith.constant 0 : i32
    %dma_start3A_136 = tpu.memref_slice %arg4[%add3A_121, %dma_start3A_134, %dma_start3A_135] : memref<16384x50x128xf32, #tpu.memory_space<hbm>> -> memref<1x50x128xf32, #tpu.memory_space<hbm>>
    %dma_start3A_137 = tpu.memref_squeeze %dma_start3A_136 : memref<1x50x128xf32, #tpu.memory_space<hbm>> -> memref<50x128xf32, #tpu.memory_space<hbm>>
    %dma_start3A_138 = arith.constant 0 : i32
    %dma_start3A_139 = arith.constant 0 : i32
    %dma_start3A_140 = tpu.memref_slice %arg6[%dma_start3A_122, %dma_start3A_138, %dma_start3A_139] : memref<4x112x128xf32, #tpu.memory_space<vmem>> -> memref<1x112x128xf32, #tpu.memory_space<vmem>>
    %dma_start3A_141 = tpu.memref_squeeze %dma_start3A_140 : memref<1x112x128xf32, #tpu.memory_space<vmem>> -> memref<112x128xf32, #tpu.memory_space<vmem>>
    %dma_start3A_142 = arith.constant 0 : i32
    %dma_start3A_143 = arith.constant 0 : i32
    %dma_start3A_144 = tpu.memref_slice %dma_start3A_141[%dma_start3A_142, %dma_start3A_143] : memref<112x128xf32, #tpu.memory_space<vmem>> -> memref<50x128xf32, #tpu.memory_space<vmem>>
    tpu.enqueue_dma source(%dma_start3A_144 : memref<50x128xf32, #tpu.memory_space<vmem>>) target(%dma_start3A_137 : memref<50x128xf32, #tpu.memory_space<hbm>>) target_semaphore(%arg13 : memref<!tpu.dma_semaphore, #tpu.memory_space<semaphore_mem>>)
    %add3A_145 = arith.constant 1 : i32
    %add3A_146 = arith.addi %add3A_121, %add3A_145 : i32
    %dma_start3A_147 = arith.constant 1 : i32
    %dma_start3A_148 = arith.constant 0 : i32
    %dma_start3A_149 = arith.constant 0 : i32
    %dma_start3A_150 = tpu.memref_slice %arg6[%dma_start3A_147, %dma_start3A_148, %dma_start3A_149] : memref<4x112x128xf32, #tpu.memory_space<vmem>> -> memref<1x112x128xf32, #tpu.memory_space<vmem>>
    %dma_start3A_151 = tpu.memref_squeeze %dma_start3A_150 : memref<1x112x128xf32, #tpu.memory_space<vmem>> -> memref<112x128xf32, #tpu.memory_space<vmem>>
    %dma_start3A_152 = arith.constant 56 : i32
    %dma_start3A_153 = arith.constant 0 : i32
    %dma_start3A_154 = tpu.memref_slice %dma_start3A_151[%dma_start3A_152, %dma_start3A_153] : memref<112x128xf32, #tpu.memory_space<vmem>> -> memref<50x128xf32, #tpu.memory_space<vmem>>
    %dma_start3A_155 = arith.constant 0 : i32
    %dma_start3A_156 = arith.constant 0 : i32
    %dma_start3A_157 = tpu.memref_slice %arg4[%add3A_146, %dma_start3A_155, %dma_start3A_156] : memref<16384x50x128xf32, #tpu.memory_space<hbm>> -> memref<1x50x128xf32, #tpu.memory_space<hbm>>
    %dma_start3A_158 = tpu.memref_squeeze %dma_start3A_157 : memref<1x50x128xf32, #tpu.memory_space<hbm>> -> memref<50x128xf32, #tpu.memory_space<hbm>>
    %dma_start3A_159 = arith.constant 0 : i32
    %dma_start3A_160 = arith.constant 0 : i32
    %dma_start3A_161 = tpu.memref_slice %arg4[%add3A_146, %dma_start3A_159, %dma_start3A_160] : memref<16384x50x128xf32, #tpu.memory_space<hbm>> -> memref<1x50x128xf32, #tpu.memory_space<hbm>>
    %dma_start3A_162 = tpu.memref_squeeze %dma_start3A_161 : memref<1x50x128xf32, #tpu.memory_space<hbm>> -> memref<50x128xf32, #tpu.memory_space<hbm>>
    %dma_start3A_163 = arith.constant 0 : i32
    %dma_start3A_164 = arith.constant 0 : i32
    %dma_start3A_165 = tpu.memref_slice %arg6[%dma_start3A_147, %dma_start3A_163, %dma_start3A_164] : memref<4x112x128xf32, #tpu.memory_space<vmem>> -> memref<1x112x128xf32, #tpu.memory_space<vmem>>
    %dma_start3A_166 = tpu.memref_squeeze %dma_start3A_165 : memref<1x112x128xf32, #tpu.memory_space<vmem>> -> memref<112x128xf32, #tpu.memory_space<vmem>>
    %dma_start3A_167 = arith.constant 56 : i32
    %dma_start3A_168 = arith.constant 0 : i32
    %dma_start3A_169 = tpu.memref_slice %dma_start3A_166[%dma_start3A_167, %dma_start3A_168] : memref<112x128xf32, #tpu.memory_space<vmem>> -> memref<50x128xf32, #tpu.memory_space<vmem>>
    tpu.enqueue_dma source(%dma_start3A_169 : memref<50x128xf32, #tpu.memory_space<vmem>>) target(%dma_start3A_162 : memref<50x128xf32, #tpu.memory_space<hbm>>) target_semaphore(%arg13 : memref<!tpu.dma_semaphore, #tpu.memory_space<semaphore_mem>>)
    %dma_wait3A_170 = arith.constant 2 : i32
    %dma_wait3A_171 = arith.constant 0 : i32
    %dma_wait3A_172 = arith.constant 0 : i32
    %dma_wait3A_173 = tpu.memref_slice %arg6[%dma_wait3A_170, %dma_wait3A_171, %dma_wait3A_172] : memref<4x112x128xf32, #tpu.memory_space<vmem>> -> memref<1x112x128xf32, #tpu.memory_space<vmem>>
    %dma_wait3A_174 = tpu.memref_squeeze %dma_wait3A_173 : memref<1x112x128xf32, #tpu.memory_space<vmem>> -> memref<112x128xf32, #tpu.memory_space<vmem>>
    %dma_wait3A_175 = arith.constant 0 : i32
    %dma_wait3A_176 = tpu.memref_slice %arg5[%dma_wait3A_175] : memref<28672xi32, #tpu.memory_space<vmem>> -> memref<112xi32, #tpu.memory_space<vmem>>
    %dma_wait3A_177 = arith.constant 0 : i32
    %dma_wait3A_178 = arith.constant 0 : i32
    %dma_wait3A_179 = tpu.memref_slice %arg7[%dma_wait3A_177, %dma_wait3A_178] : memref<312x128xf32, #tpu.memory_space<vmem_shared>> -> memref<312x128xf32, #tpu.memory_space<vmem_shared>>
    tpu.wait_indirect_dma semaphore(%arg10 : memref<!tpu.dma_semaphore, #tpu.memory_space<semaphore_mem>>) src(%dma_wait3A_179 : memref<312x128xf32, #tpu.memory_space<vmem_shared>>) dst(%dma_wait3A_174 : memref<112x128xf32, #tpu.memory_space<vmem>>)
    %add3A_180 = arith.constant 508 : i32
    %add3A_181 = arith.addi %mul3A_2, %add3A_180 : i32
    %dma_start3A_182 = arith.constant 2 : i32
    %dma_start3A_183 = arith.constant 0 : i32
    %dma_start3A_184 = arith.constant 0 : i32
    %dma_start3A_185 = tpu.memref_slice %arg6[%dma_start3A_182, %dma_start3A_183, %dma_start3A_184] : memref<4x112x128xf32, #tpu.memory_space<vmem>> -> memref<1x112x128xf32, #tpu.memory_space<vmem>>
    %dma_start3A_186 = tpu.memref_squeeze %dma_start3A_185 : memref<1x112x128xf32, #tpu.memory_space<vmem>> -> memref<112x128xf32, #tpu.memory_space<vmem>>
    %dma_start3A_187 = arith.constant 0 : i32
    %dma_start3A_188 = arith.constant 0 : i32
    %dma_start3A_189 = tpu.memref_slice %dma_start3A_186[%dma_start3A_187, %dma_start3A_188] : memref<112x128xf32, #tpu.memory_space<vmem>> -> memref<50x128xf32, #tpu.memory_space<vmem>>
    %dma_start3A_190 = arith.constant 0 : i32
    %dma_start3A_191 = arith.constant 0 : i32
    %dma_start3A_192 = tpu.memref_slice %arg4[%add3A_181, %dma_start3A_190, %dma_start3A_191] : memref<16384x50x128xf32, #tpu.memory_space<hbm>> -> memref<1x50x128xf32, #tpu.memory_space<hbm>>
    %dma_start3A_193 = tpu.memref_squeeze %dma_start3A_192 : memref<1x50x128xf32, #tpu.memory_space<hbm>> -> memref<50x128xf32, #tpu.memory_space<hbm>>
    %dma_start3A_194 = arith.constant 0 : i32
    %dma_start3A_195 = arith.constant 0 : i32
    %dma_start3A_196 = tpu.memref_slice %arg4[%add3A_181, %dma_start3A_194, %dma_start3A_195] : memref<16384x50x128xf32, #tpu.memory_space<hbm>> -> memref<1x50x128xf32, #tpu.memory_space<hbm>>
    %dma_start3A_197 = tpu.memref_squeeze %dma_start3A_196 : memref<1x50x128xf32, #tpu.memory_space<hbm>> -> memref<50x128xf32, #tpu.memory_space<hbm>>
    %dma_start3A_198 = arith.constant 0 : i32
    %dma_start3A_199 = arith.constant 0 : i32
    %dma_start3A_200 = tpu.memref_slice %arg6[%dma_start3A_182, %dma_start3A_198, %dma_start3A_199] : memref<4x112x128xf32, #tpu.memory_space<vmem>> -> memref<1x112x128xf32, #tpu.memory_space<vmem>>
    %dma_start3A_201 = tpu.memref_squeeze %dma_start3A_200 : memref<1x112x128xf32, #tpu.memory_space<vmem>> -> memref<112x128xf32, #tpu.memory_space<vmem>>
    %dma_start3A_202 = arith.constant 0 : i32
    %dma_start3A_203 = arith.constant 0 : i32
    %dma_start3A_204 = tpu.memref_slice %dma_start3A_201[%dma_start3A_202, %dma_start3A_203] : memref<112x128xf32, #tpu.memory_space<vmem>> -> memref<50x128xf32, #tpu.memory_space<vmem>>
    tpu.enqueue_dma source(%dma_start3A_204 : memref<50x128xf32, #tpu.memory_space<vmem>>) target(%dma_start3A_197 : memref<50x128xf32, #tpu.memory_space<hbm>>) target_semaphore(%arg14 : memref<!tpu.dma_semaphore, #tpu.memory_space<semaphore_mem>>)
    %add3A_205 = arith.constant 1 : i32
    %add3A_206 = arith.addi %add3A_181, %add3A_205 : i32
    %dma_start3A_207 = arith.constant 2 : i32
    %dma_start3A_208 = arith.constant 0 : i32
    %dma_start3A_209 = arith.constant 0 : i32
    %dma_start3A_210 = tpu.memref_slice %arg6[%dma_start3A_207, %dma_start3A_208, %dma_start3A_209] : memref<4x112x128xf32, #tpu.memory_space<vmem>> -> memref<1x112x128xf32, #tpu.memory_space<vmem>>
    %dma_start3A_211 = tpu.memref_squeeze %dma_start3A_210 : memref<1x112x128xf32, #tpu.memory_space<vmem>> -> memref<112x128xf32, #tpu.memory_space<vmem>>
    %dma_start3A_212 = arith.constant 56 : i32
    %dma_start3A_213 = arith.constant 0 : i32
    %dma_start3A_214 = tpu.memref_slice %dma_start3A_211[%dma_start3A_212, %dma_start3A_213] : memref<112x128xf32, #tpu.memory_space<vmem>> -> memref<50x128xf32, #tpu.memory_space<vmem>>
    %dma_start3A_215 = arith.constant 0 : i32
    %dma_start3A_216 = arith.constant 0 : i32
    %dma_start3A_217 = tpu.memref_slice %arg4[%add3A_206, %dma_start3A_215, %dma_start3A_216] : memref<16384x50x128xf32, #tpu.memory_space<hbm>> -> memref<1x50x128xf32, #tpu.memory_space<hbm>>
    %dma_start3A_218 = tpu.memref_squeeze %dma_start3A_217 : memref<1x50x128xf32, #tpu.memory_space<hbm>> -> memref<50x128xf32, #tpu.memory_space<hbm>>
    %dma_start3A_219 = arith.constant 0 : i32
    %dma_start3A_220 = arith.constant 0 : i32
    %dma_start3A_221 = tpu.memref_slice %arg4[%add3A_206, %dma_start3A_219, %dma_start3A_220] : memref<16384x50x128xf32, #tpu.memory_space<hbm>> -> memref<1x50x128xf32, #tpu.memory_space<hbm>>
    %dma_start3A_222 = tpu.memref_squeeze %dma_start3A_221 : memref<1x50x128xf32, #tpu.memory_space<hbm>> -> memref<50x128xf32, #tpu.memory_space<hbm>>
    %dma_start3A_223 = arith.constant 0 : i32
    %dma_start3A_224 = arith.constant 0 : i32
    %dma_start3A_225 = tpu.memref_slice %arg6[%dma_start3A_207, %dma_start3A_223, %dma_start3A_224] : memref<4x112x128xf32, #tpu.memory_space<vmem>> -> memref<1x112x128xf32, #tpu.memory_space<vmem>>
    %dma_start3A_226 = tpu.memref_squeeze %dma_start3A_225 : memref<1x112x128xf32, #tpu.memory_space<vmem>> -> memref<112x128xf32, #tpu.memory_space<vmem>>
    %dma_start3A_227 = arith.constant 56 : i32
    %dma_start3A_228 = arith.constant 0 : i32
    %dma_start3A_229 = tpu.memref_slice %dma_start3A_226[%dma_start3A_227, %dma_start3A_228] : memref<112x128xf32, #tpu.memory_space<vmem>> -> memref<50x128xf32, #tpu.memory_space<vmem>>
    tpu.enqueue_dma source(%dma_start3A_229 : memref<50x128xf32, #tpu.memory_space<vmem>>) target(%dma_start3A_222 : memref<50x128xf32, #tpu.memory_space<hbm>>) target_semaphore(%arg14 : memref<!tpu.dma_semaphore, #tpu.memory_space<semaphore_mem>>)
    %dma_wait3A_230 = arith.constant 3 : i32
    %dma_wait3A_231 = arith.constant 0 : i32
    %dma_wait3A_232 = arith.constant 0 : i32
    %dma_wait3A_233 = tpu.memref_slice %arg6[%dma_wait3A_230, %dma_wait3A_231, %dma_wait3A_232] : memref<4x112x128xf32, #tpu.memory_space<vmem>> -> memref<1x112x128xf32, #tpu.memory_space<vmem>>
    %dma_wait3A_234 = tpu.memref_squeeze %dma_wait3A_233 : memref<1x112x128xf32, #tpu.memory_space<vmem>> -> memref<112x128xf32, #tpu.memory_space<vmem>>
    %dma_wait3A_235 = arith.constant 0 : i32
    %dma_wait3A_236 = tpu.memref_slice %arg5[%dma_wait3A_235] : memref<28672xi32, #tpu.memory_space<vmem>> -> memref<112xi32, #tpu.memory_space<vmem>>
    %dma_wait3A_237 = arith.constant 0 : i32
    %dma_wait3A_238 = arith.constant 0 : i32
    %dma_wait3A_239 = tpu.memref_slice %arg7[%dma_wait3A_237, %dma_wait3A_238] : memref<312x128xf32, #tpu.memory_space<vmem_shared>> -> memref<312x128xf32, #tpu.memory_space<vmem_shared>>
    tpu.wait_indirect_dma semaphore(%arg11 : memref<!tpu.dma_semaphore, #tpu.memory_space<semaphore_mem>>) src(%dma_wait3A_239 : memref<312x128xf32, #tpu.memory_space<vmem_shared>>) dst(%dma_wait3A_234 : memref<112x128xf32, #tpu.memory_space<vmem>>)
    %add3A_240 = arith.constant 510 : i32
    %add3A_241 = arith.addi %mul3A_2, %add3A_240 : i32
    %dma_start3A_242 = arith.constant 3 : i32
    %dma_start3A_243 = arith.constant 0 : i32
    %dma_start3A_244 = arith.constant 0 : i32
    %dma_start3A_245 = tpu.memref_slice %arg6[%dma_start3A_242, %dma_start3A_243, %dma_start3A_244] : memref<4x112x128xf32, #tpu.memory_space<vmem>> -> memref<1x112x128xf32, #tpu.memory_space<vmem>>
    %dma_start3A_246 = tpu.memref_squeeze %dma_start3A_245 : memref<1x112x128xf32, #tpu.memory_space<vmem>> -> memref<112x128xf32, #tpu.memory_space<vmem>>
    %dma_start3A_247 = arith.constant 0 : i32
    %dma_start3A_248 = arith.constant 0 : i32
    %dma_start3A_249 = tpu.memref_slice %dma_start3A_246[%dma_start3A_247, %dma_start3A_248] : memref<112x128xf32, #tpu.memory_space<vmem>> -> memref<50x128xf32, #tpu.memory_space<vmem>>
    %dma_start3A_250 = arith.constant 0 : i32
    %dma_start3A_251 = arith.constant 0 : i32
    %dma_start3A_252 = tpu.memref_slice %arg4[%add3A_241, %dma_start3A_250, %dma_start3A_251] : memref<16384x50x128xf32, #tpu.memory_space<hbm>> -> memref<1x50x128xf32, #tpu.memory_space<hbm>>
    %dma_start3A_253 = tpu.memref_squeeze %dma_start3A_252 : memref<1x50x128xf32, #tpu.memory_space<hbm>> -> memref<50x128xf32, #tpu.memory_space<hbm>>
    %dma_start3A_254 = arith.constant 0 : i32
    %dma_start3A_255 = arith.constant 0 : i32
    %dma_start3A_256 = tpu.memref_slice %arg4[%add3A_241, %dma_start3A_254, %dma_start3A_255] : memref<16384x50x128xf32, #tpu.memory_space<hbm>> -> memref<1x50x128xf32, #tpu.memory_space<hbm>>
    %dma_start3A_257 = tpu.memref_squeeze %dma_start3A_256 : memref<1x50x128xf32, #tpu.memory_space<hbm>> -> memref<50x128xf32, #tpu.memory_space<hbm>>
    %dma_start3A_258 = arith.constant 0 : i32
    %dma_start3A_259 = arith.constant 0 : i32
    %dma_start3A_260 = tpu.memref_slice %arg6[%dma_start3A_242, %dma_start3A_258, %dma_start3A_259] : memref<4x112x128xf32, #tpu.memory_space<vmem>> -> memref<1x112x128xf32, #tpu.memory_space<vmem>>
    %dma_start3A_261 = tpu.memref_squeeze %dma_start3A_260 : memref<1x112x128xf32, #tpu.memory_space<vmem>> -> memref<112x128xf32, #tpu.memory_space<vmem>>
    %dma_start3A_262 = arith.constant 0 : i32
    %dma_start3A_263 = arith.constant 0 : i32
    %dma_start3A_264 = tpu.memref_slice %dma_start3A_261[%dma_start3A_262, %dma_start3A_263] : memref<112x128xf32, #tpu.memory_space<vmem>> -> memref<50x128xf32, #tpu.memory_space<vmem>>
    tpu.enqueue_dma source(%dma_start3A_264 : memref<50x128xf32, #tpu.memory_space<vmem>>) target(%dma_start3A_257 : memref<50x128xf32, #tpu.memory_space<hbm>>) target_semaphore(%arg15 : memref<!tpu.dma_semaphore, #tpu.memory_space<semaphore_mem>>)
    %add3A_265 = arith.constant 1 : i32
    %add3A_266 = arith.addi %add3A_241, %add3A_265 : i32
    %dma_start3A_267 = arith.constant 3 : i32
    %dma_start3A_268 = arith.constant 0 : i32
    %dma_start3A_269 = arith.constant 0 : i32
    %dma_start3A_270 = tpu.memref_slice %arg6[%dma_start3A_267, %dma_start3A_268, %dma_start3A_269] : memref<4x112x128xf32, #tpu.memory_space<vmem>> -> memref<1x112x128xf32, #tpu.memory_space<vmem>>
    %dma_start3A_271 = tpu.memref_squeeze %dma_start3A_270 : memref<1x112x128xf32, #tpu.memory_space<vmem>> -> memref<112x128xf32, #tpu.memory_space<vmem>>
    %dma_start3A_272 = arith.constant 56 : i32
    %dma_start3A_273 = arith.constant 0 : i32
    %dma_start3A_274 = tpu.memref_slice %dma_start3A_271[%dma_start3A_272, %dma_start3A_273] : memref<112x128xf32, #tpu.memory_space<vmem>> -> memref<50x128xf32, #tpu.memory_space<vmem>>
    %dma_start3A_275 = arith.constant 0 : i32
    %dma_start3A_276 = arith.constant 0 : i32
    %dma_start3A_277 = tpu.memref_slice %arg4[%add3A_266, %dma_start3A_275, %dma_start3A_276] : memref<16384x50x128xf32, #tpu.memory_space<hbm>> -> memref<1x50x128xf32, #tpu.memory_space<hbm>>
    %dma_start3A_278 = tpu.memref_squeeze %dma_start3A_277 : memref<1x50x128xf32, #tpu.memory_space<hbm>> -> memref<50x128xf32, #tpu.memory_space<hbm>>
    %dma_start3A_279 = arith.constant 0 : i32
    %dma_start3A_280 = arith.constant 0 : i32
    %dma_start3A_281 = tpu.memref_slice %arg4[%add3A_266, %dma_start3A_279, %dma_start3A_280] : memref<16384x50x128xf32, #tpu.memory_space<hbm>> -> memref<1x50x128xf32, #tpu.memory_space<hbm>>
    %dma_start3A_282 = tpu.memref_squeeze %dma_start3A_281 : memref<1x50x128xf32, #tpu.memory_space<hbm>> -> memref<50x128xf32, #tpu.memory_space<hbm>>
    %dma_start3A_283 = arith.constant 0 : i32
    %dma_start3A_284 = arith.constant 0 : i32
    %dma_start3A_285 = tpu.memref_slice %arg6[%dma_start3A_267, %dma_start3A_283, %dma_start3A_284] : memref<4x112x128xf32, #tpu.memory_space<vmem>> -> memref<1x112x128xf32, #tpu.memory_space<vmem>>
    %dma_start3A_286 = tpu.memref_squeeze %dma_start3A_285 : memref<1x112x128xf32, #tpu.memory_space<vmem>> -> memref<112x128xf32, #tpu.memory_space<vmem>>
    %dma_start3A_287 = arith.constant 56 : i32
    %dma_start3A_288 = arith.constant 0 : i32
    %dma_start3A_289 = tpu.memref_slice %dma_start3A_286[%dma_start3A_287, %dma_start3A_288] : memref<112x128xf32, #tpu.memory_space<vmem>> -> memref<50x128xf32, #tpu.memory_space<vmem>>
    tpu.enqueue_dma source(%dma_start3A_289 : memref<50x128xf32, #tpu.memory_space<vmem>>) target(%dma_start3A_282 : memref<50x128xf32, #tpu.memory_space<hbm>>) target_semaphore(%arg15 : memref<!tpu.dma_semaphore, #tpu.memory_space<semaphore_mem>>)
    %dma_wait3A_290 = arith.constant 0 : i32
    %dma_wait3A_291 = arith.constant 0 : i32
    %dma_wait3A_292 = arith.constant 0 : i32
    %dma_wait3A_293 = tpu.memref_slice %arg6[%dma_wait3A_290, %dma_wait3A_291, %dma_wait3A_292] : memref<4x112x128xf32, #tpu.memory_space<vmem>> -> memref<1x112x128xf32, #tpu.memory_space<vmem>>
    %dma_wait3A_294 = tpu.memref_squeeze %dma_wait3A_293 : memref<1x112x128xf32, #tpu.memory_space<vmem>> -> memref<112x128xf32, #tpu.memory_space<vmem>>
    %dma_wait3A_295 = arith.constant 0 : i32
    %dma_wait3A_296 = arith.constant 0 : i32
    %dma_wait3A_297 = tpu.memref_slice %dma_wait3A_294[%dma_wait3A_295, %dma_wait3A_296] : memref<112x128xf32, #tpu.memory_space<vmem>> -> memref<50x128xf32, #tpu.memory_space<vmem>>
    %dma_wait3A_298 = arith.constant 0 : i32
    %dma_wait3A_299 = arith.constant 0 : i32
    %dma_wait3A_300 = tpu.memref_slice %arg4[%mul3A_2, %dma_wait3A_298, %dma_wait3A_299] : memref<16384x50x128xf32, #tpu.memory_space<hbm>> -> memref<1x50x128xf32, #tpu.memory_space<hbm>>
    %dma_wait3A_301 = tpu.memref_squeeze %dma_wait3A_300 : memref<1x50x128xf32, #tpu.memory_space<hbm>> -> memref<50x128xf32, #tpu.memory_space<hbm>>
    %dma_wait3A_302 = arith.constant 0 : i32
    %dma_wait3A_303 = arith.constant 0 : i32
    %dma_wait3A_304 = tpu.memref_slice %arg4[%mul3A_2, %dma_wait3A_302, %dma_wait3A_303] : memref<16384x50x128xf32, #tpu.memory_space<hbm>> -> memref<1x50x128xf32, #tpu.memory_space<hbm>>
    %dma_wait3A_305 = tpu.memref_squeeze %dma_wait3A_304 : memref<1x50x128xf32, #tpu.memory_space<hbm>> -> memref<50x128xf32, #tpu.memory_space<hbm>>
    %dma_wait3A_306 = arith.constant 0 : i32
    %dma_wait3A_307 = arith.constant 0 : i32
    %dma_wait3A_308 = tpu.memref_slice %arg6[%dma_wait3A_290, %dma_wait3A_306, %dma_wait3A_307] : memref<4x112x128xf32, #tpu.memory_space<vmem>> -> memref<1x112x128xf32, #tpu.memory_space<vmem>>
    %dma_wait3A_309 = tpu.memref_squeeze %dma_wait3A_308 : memref<1x112x128xf32, #tpu.memory_space<vmem>> -> memref<112x128xf32, #tpu.memory_space<vmem>>
    %dma_wait3A_310 = arith.constant 0 : i32
    %dma_wait3A_311 = arith.constant 0 : i32
    %dma_wait3A_312 = tpu.memref_slice %dma_wait3A_309[%dma_wait3A_310, %dma_wait3A_311] : memref<112x128xf32, #tpu.memory_space<vmem>> -> memref<50x128xf32, #tpu.memory_space<vmem>>
    tpu.wait_dma2 semaphore(%arg12 : memref<!tpu.dma_semaphore, #tpu.memory_space<semaphore_mem>>) src(%dma_wait3A_312 : memref<50x128xf32, #tpu.memory_space<vmem>>) dst(%dma_wait3A_305 : memref<50x128xf32, #tpu.memory_space<hbm>>)
    %dma_wait3A_313 = arith.constant 0 : i32
    %dma_wait3A_314 = arith.constant 0 : i32
    %dma_wait3A_315 = arith.constant 0 : i32
    %dma_wait3A_316 = tpu.memref_slice %arg6[%dma_wait3A_313, %dma_wait3A_314, %dma_wait3A_315] : memref<4x112x128xf32, #tpu.memory_space<vmem>> -> memref<1x112x128xf32, #tpu.memory_space<vmem>>
    %dma_wait3A_317 = tpu.memref_squeeze %dma_wait3A_316 : memref<1x112x128xf32, #tpu.memory_space<vmem>> -> memref<112x128xf32, #tpu.memory_space<vmem>>
    %dma_wait3A_318 = arith.constant 56 : i32
    %dma_wait3A_319 = arith.constant 0 : i32
    %dma_wait3A_320 = tpu.memref_slice %dma_wait3A_317[%dma_wait3A_318, %dma_wait3A_319] : memref<112x128xf32, #tpu.memory_space<vmem>> -> memref<50x128xf32, #tpu.memory_space<vmem>>
    %dma_wait3A_321 = arith.constant 0 : i32
    %dma_wait3A_322 = arith.constant 0 : i32
    %dma_wait3A_323 = tpu.memref_slice %arg4[%mul3A_2, %dma_wait3A_321, %dma_wait3A_322] : memref<16384x50x128xf32, #tpu.memory_space<hbm>> -> memref<1x50x128xf32, #tpu.memory_space<hbm>>
    %dma_wait3A_324 = tpu.memref_squeeze %dma_wait3A_323 : memref<1x50x128xf32, #tpu.memory_space<hbm>> -> memref<50x128xf32, #tpu.memory_space<hbm>>
    %dma_wait3A_325 = arith.constant 0 : i32
    %dma_wait3A_326 = arith.constant 0 : i32
    %dma_wait3A_327 = tpu.memref_slice %arg4[%mul3A_2, %dma_wait3A_325, %dma_wait3A_326] : memref<16384x50x128xf32, #tpu.memory_space<hbm>> -> memref<1x50x128xf32, #tpu.memory_space<hbm>>
    %dma_wait3A_328 = tpu.memref_squeeze %dma_wait3A_327 : memref<1x50x128xf32, #tpu.memory_space<hbm>> -> memref<50x128xf32, #tpu.memory_space<hbm>>
    %dma_wait3A_329 = arith.constant 0 : i32
    %dma_wait3A_330 = arith.constant 0 : i32
    %dma_wait3A_331 = tpu.memref_slice %arg6[%dma_wait3A_313, %dma_wait3A_329, %dma_wait3A_330] : memref<4x112x128xf32, #tpu.memory_space<vmem>> -> memref<1x112x128xf32, #tpu.memory_space<vmem>>
    %dma_wait3A_332 = tpu.memref_squeeze %dma_wait3A_331 : memref<1x112x128xf32, #tpu.memory_space<vmem>> -> memref<112x128xf32, #tpu.memory_space<vmem>>
    %dma_wait3A_333 = arith.constant 56 : i32
    %dma_wait3A_334 = arith.constant 0 : i32
    %dma_wait3A_335 = tpu.memref_slice %dma_wait3A_332[%dma_wait3A_333, %dma_wait3A_334] : memref<112x128xf32, #tpu.memory_space<vmem>> -> memref<50x128xf32, #tpu.memory_space<vmem>>
    tpu.wait_dma2 semaphore(%arg12 : memref<!tpu.dma_semaphore, #tpu.memory_space<semaphore_mem>>) src(%dma_wait3A_335 : memref<50x128xf32, #tpu.memory_space<vmem>>) dst(%dma_wait3A_328 : memref<50x128xf32, #tpu.memory_space<hbm>>)
    %dma_wait3A_336 = arith.constant 1 : i32
    %dma_wait3A_337 = arith.constant 0 : i32
    %dma_wait3A_338 = arith.constant 0 : i32
    %dma_wait3A_339 = tpu.memref_slice %arg6[%dma_wait3A_336, %dma_wait3A_337, %dma_wait3A_338] : memref<4x112x128xf32, #tpu.memory_space<vmem>> -> memref<1x112x128xf32, #tpu.memory_space<vmem>>
    %dma_wait3A_340 = tpu.memref_squeeze %dma_wait3A_339 : memref<1x112x128xf32, #tpu.memory_space<vmem>> -> memref<112x128xf32, #tpu.memory_space<vmem>>
    %dma_wait3A_341 = arith.constant 0 : i32
    %dma_wait3A_342 = arith.constant 0 : i32
    %dma_wait3A_343 = tpu.memref_slice %dma_wait3A_340[%dma_wait3A_341, %dma_wait3A_342] : memref<112x128xf32, #tpu.memory_space<vmem>> -> memref<50x128xf32, #tpu.memory_space<vmem>>
    %dma_wait3A_344 = arith.constant 0 : i32
    %dma_wait3A_345 = arith.constant 0 : i32
    %dma_wait3A_346 = tpu.memref_slice %arg4[%mul3A_2, %dma_wait3A_344, %dma_wait3A_345] : memref<16384x50x128xf32, #tpu.memory_space<hbm>> -> memref<1x50x128xf32, #tpu.memory_space<hbm>>
    %dma_wait3A_347 = tpu.memref_squeeze %dma_wait3A_346 : memref<1x50x128xf32, #tpu.memory_space<hbm>> -> memref<50x128xf32, #tpu.memory_space<hbm>>
    %dma_wait3A_348 = arith.constant 0 : i32
    %dma_wait3A_349 = arith.constant 0 : i32
    %dma_wait3A_350 = tpu.memref_slice %arg4[%mul3A_2, %dma_wait3A_348, %dma_wait3A_349] : memref<16384x50x128xf32, #tpu.memory_space<hbm>> -> memref<1x50x128xf32, #tpu.memory_space<hbm>>
    %dma_wait3A_351 = tpu.memref_squeeze %dma_wait3A_350 : memref<1x50x128xf32, #tpu.memory_space<hbm>> -> memref<50x128xf32, #tpu.memory_space<hbm>>
    %dma_wait3A_352 = arith.constant 0 : i32
    %dma_wait3A_353 = arith.constant 0 : i32
    %dma_wait3A_354 = tpu.memref_slice %arg6[%dma_wait3A_336, %dma_wait3A_352, %dma_wait3A_353] : memref<4x112x128xf32, #tpu.memory_space<vmem>> -> memref<1x112x128xf32, #tpu.memory_space<vmem>>
    %dma_wait3A_355 = tpu.memref_squeeze %dma_wait3A_354 : memref<1x112x128xf32, #tpu.memory_space<vmem>> -> memref<112x128xf32, #tpu.memory_space<vmem>>
    %dma_wait3A_356 = arith.constant 0 : i32
    %dma_wait3A_357 = arith.constant 0 : i32
    %dma_wait3A_358 = tpu.memref_slice %dma_wait3A_355[%dma_wait3A_356, %dma_wait3A_357] : memref<112x128xf32, #tpu.memory_space<vmem>> -> memref<50x128xf32, #tpu.memory_space<vmem>>
    tpu.wait_dma2 semaphore(%arg13 : memref<!tpu.dma_semaphore, #tpu.memory_space<semaphore_mem>>) src(%dma_wait3A_358 : memref<50x128xf32, #tpu.memory_space<vmem>>) dst(%dma_wait3A_351 : memref<50x128xf32, #tpu.memory_space<hbm>>)
    %dma_wait3A_359 = arith.constant 1 : i32
    %dma_wait3A_360 = arith.constant 0 : i32
    %dma_wait3A_361 = arith.constant 0 : i32
    %dma_wait3A_362 = tpu.memref_slice %arg6[%dma_wait3A_359, %dma_wait3A_360, %dma_wait3A_361] : memref<4x112x128xf32, #tpu.memory_space<vmem>> -> memref<1x112x128xf32, #tpu.memory_space<vmem>>
    %dma_wait3A_363 = tpu.memref_squeeze %dma_wait3A_362 : memref<1x112x128xf32, #tpu.memory_space<vmem>> -> memref<112x128xf32, #tpu.memory_space<vmem>>
    %dma_wait3A_364 = arith.constant 56 : i32
    %dma_wait3A_365 = arith.constant 0 : i32
    %dma_wait3A_366 = tpu.memref_slice %dma_wait3A_363[%dma_wait3A_364, %dma_wait3A_365] : memref<112x128xf32, #tpu.memory_space<vmem>> -> memref<50x128xf32, #tpu.memory_space<vmem>>
    %dma_wait3A_367 = arith.constant 0 : i32
    %dma_wait3A_368 = arith.constant 0 : i32
    %dma_wait3A_369 = tpu.memref_slice %arg4[%mul3A_2, %dma_wait3A_367, %dma_wait3A_368] : memref<16384x50x128xf32, #tpu.memory_space<hbm>> -> memref<1x50x128xf32, #tpu.memory_space<hbm>>
    %dma_wait3A_370 = tpu.memref_squeeze %dma_wait3A_369 : memref<1x50x128xf32, #tpu.memory_space<hbm>> -> memref<50x128xf32, #tpu.memory_space<hbm>>
    %dma_wait3A_371 = arith.constant 0 : i32
    %dma_wait3A_372 = arith.constant 0 : i32
    %dma_wait3A_373 = tpu.memref_slice %arg4[%mul3A_2, %dma_wait3A_371, %dma_wait3A_372] : memref<16384x50x128xf32, #tpu.memory_space<hbm>> -> memref<1x50x128xf32, #tpu.memory_space<hbm>>
    %dma_wait3A_374 = tpu.memref_squeeze %dma_wait3A_373 : memref<1x50x128xf32, #tpu.memory_space<hbm>> -> memref<50x128xf32, #tpu.memory_space<hbm>>
    %dma_wait3A_375 = arith.constant 0 : i32
    %dma_wait3A_376 = arith.constant 0 : i32
    %dma_wait3A_377 = tpu.memref_slice %arg6[%dma_wait3A_359, %dma_wait3A_375, %dma_wait3A_376] : memref<4x112x128xf32, #tpu.memory_space<vmem>> -> memref<1x112x128xf32, #tpu.memory_space<vmem>>
    %dma_wait3A_378 = tpu.memref_squeeze %dma_wait3A_377 : memref<1x112x128xf32, #tpu.memory_space<vmem>> -> memref<112x128xf32, #tpu.memory_space<vmem>>
    %dma_wait3A_379 = arith.constant 56 : i32
    %dma_wait3A_380 = arith.constant 0 : i32
    %dma_wait3A_381 = tpu.memref_slice %dma_wait3A_378[%dma_wait3A_379, %dma_wait3A_380] : memref<112x128xf32, #tpu.memory_space<vmem>> -> memref<50x128xf32, #tpu.memory_space<vmem>>
    tpu.wait_dma2 semaphore(%arg13 : memref<!tpu.dma_semaphore, #tpu.memory_space<semaphore_mem>>) src(%dma_wait3A_381 : memref<50x128xf32, #tpu.memory_space<vmem>>) dst(%dma_wait3A_374 : memref<50x128xf32, #tpu.memory_space<hbm>>)
    %dma_wait3A_382 = arith.constant 2 : i32
    %dma_wait3A_383 = arith.constant 0 : i32
    %dma_wait3A_384 = arith.constant 0 : i32
    %dma_wait3A_385 = tpu.memref_slice %arg6[%dma_wait3A_382, %dma_wait3A_383, %dma_wait3A_384] : memref<4x112x128xf32, #tpu.memory_space<vmem>> -> memref<1x112x128xf32, #tpu.memory_space<vmem>>
    %dma_wait3A_386 = tpu.memref_squeeze %dma_wait3A_385 : memref<1x112x128xf32, #tpu.memory_space<vmem>> -> memref<112x128xf32, #tpu.memory_space<vmem>>
    %dma_wait3A_387 = arith.constant 0 : i32
    %dma_wait3A_388 = arith.constant 0 : i32
    %dma_wait3A_389 = tpu.memref_slice %dma_wait3A_386[%dma_wait3A_387, %dma_wait3A_388] : memref<112x128xf32, #tpu.memory_space<vmem>> -> memref<50x128xf32, #tpu.memory_space<vmem>>
    %dma_wait3A_390 = arith.constant 0 : i32
    %dma_wait3A_391 = arith.constant 0 : i32
    %dma_wait3A_392 = tpu.memref_slice %arg4[%mul3A_2, %dma_wait3A_390, %dma_wait3A_391] : memref<16384x50x128xf32, #tpu.memory_space<hbm>> -> memref<1x50x128xf32, #tpu.memory_space<hbm>>
    %dma_wait3A_393 = tpu.memref_squeeze %dma_wait3A_392 : memref<1x50x128xf32, #tpu.memory_space<hbm>> -> memref<50x128xf32, #tpu.memory_space<hbm>>
    %dma_wait3A_394 = arith.constant 0 : i32
    %dma_wait3A_395 = arith.constant 0 : i32
    %dma_wait3A_396 = tpu.memref_slice %arg4[%mul3A_2, %dma_wait3A_394, %dma_wait3A_395] : memref<16384x50x128xf32, #tpu.memory_space<hbm>> -> memref<1x50x128xf32, #tpu.memory_space<hbm>>
    %dma_wait3A_397 = tpu.memref_squeeze %dma_wait3A_396 : memref<1x50x128xf32, #tpu.memory_space<hbm>> -> memref<50x128xf32, #tpu.memory_space<hbm>>
    %dma_wait3A_398 = arith.constant 0 : i32
    %dma_wait3A_399 = arith.constant 0 : i32
    %dma_wait3A_400 = tpu.memref_slice %arg6[%dma_wait3A_382, %dma_wait3A_398, %dma_wait3A_399] : memref<4x112x128xf32, #tpu.memory_space<vmem>> -> memref<1x112x128xf32, #tpu.memory_space<vmem>>
    %dma_wait3A_401 = tpu.memref_squeeze %dma_wait3A_400 : memref<1x112x128xf32, #tpu.memory_space<vmem>> -> memref<112x128xf32, #tpu.memory_space<vmem>>
    %dma_wait3A_402 = arith.constant 0 : i32
    %dma_wait3A_403 = arith.constant 0 : i32
    %dma_wait3A_404 = tpu.memref_slice %dma_wait3A_401[%dma_wait3A_402, %dma_wait3A_403] : memref<112x128xf32, #tpu.memory_space<vmem>> -> memref<50x128xf32, #tpu.memory_space<vmem>>
    tpu.wait_dma2 semaphore(%arg14 : memref<!tpu.dma_semaphore, #tpu.memory_space<semaphore_mem>>) src(%dma_wait3A_404 : memref<50x128xf32, #tpu.memory_space<vmem>>) dst(%dma_wait3A_397 : memref<50x128xf32, #tpu.memory_space<hbm>>)
    %dma_wait3A_405 = arith.constant 2 : i32
    %dma_wait3A_406 = arith.constant 0 : i32
    %dma_wait3A_407 = arith.constant 0 : i32
    %dma_wait3A_408 = tpu.memref_slice %arg6[%dma_wait3A_405, %dma_wait3A_406, %dma_wait3A_407] : memref<4x112x128xf32, #tpu.memory_space<vmem>> -> memref<1x112x128xf32, #tpu.memory_space<vmem>>
    %dma_wait3A_409 = tpu.memref_squeeze %dma_wait3A_408 : memref<1x112x128xf32, #tpu.memory_space<vmem>> -> memref<112x128xf32, #tpu.memory_space<vmem>>
    %dma_wait3A_410 = arith.constant 56 : i32
    %dma_wait3A_411 = arith.constant 0 : i32
    %dma_wait3A_412 = tpu.memref_slice %dma_wait3A_409[%dma_wait3A_410, %dma_wait3A_411] : memref<112x128xf32, #tpu.memory_space<vmem>> -> memref<50x128xf32, #tpu.memory_space<vmem>>
    %dma_wait3A_413 = arith.constant 0 : i32
    %dma_wait3A_414 = arith.constant 0 : i32
    %dma_wait3A_415 = tpu.memref_slice %arg4[%mul3A_2, %dma_wait3A_413, %dma_wait3A_414] : memref<16384x50x128xf32, #tpu.memory_space<hbm>> -> memref<1x50x128xf32, #tpu.memory_space<hbm>>
    %dma_wait3A_416 = tpu.memref_squeeze %dma_wait3A_415 : memref<1x50x128xf32, #tpu.memory_space<hbm>> -> memref<50x128xf32, #tpu.memory_space<hbm>>
    %dma_wait3A_417 = arith.constant 0 : i32
    %dma_wait3A_418 = arith.constant 0 : i32
    %dma_wait3A_419 = tpu.memref_slice %arg4[%mul3A_2, %dma_wait3A_417, %dma_wait3A_418] : memref<16384x50x128xf32, #tpu.memory_space<hbm>> -> memref<1x50x128xf32, #tpu.memory_space<hbm>>
    %dma_wait3A_420 = tpu.memref_squeeze %dma_wait3A_419 : memref<1x50x128xf32, #tpu.memory_space<hbm>> -> memref<50x128xf32, #tpu.memory_space<hbm>>
    %dma_wait3A_421 = arith.constant 0 : i32
    %dma_wait3A_422 = arith.constant 0 : i32
    %dma_wait3A_423 = tpu.memref_slice %arg6[%dma_wait3A_405, %dma_wait3A_421, %dma_wait3A_422] : memref<4x112x128xf32, #tpu.memory_space<vmem>> -> memref<1x112x128xf32, #tpu.memory_space<vmem>>
    %dma_wait3A_424 = tpu.memref_squeeze %dma_wait3A_423 : memref<1x112x128xf32, #tpu.memory_space<vmem>> -> memref<112x128xf32, #tpu.memory_space<vmem>>
    %dma_wait3A_425 = arith.constant 56 : i32
    %dma_wait3A_426 = arith.constant 0 : i32
    %dma_wait3A_427 = tpu.memref_slice %dma_wait3A_424[%dma_wait3A_425, %dma_wait3A_426] : memref<112x128xf32, #tpu.memory_space<vmem>> -> memref<50x128xf32, #tpu.memory_space<vmem>>
    tpu.wait_dma2 semaphore(%arg14 : memref<!tpu.dma_semaphore, #tpu.memory_space<semaphore_mem>>) src(%dma_wait3A_427 : memref<50x128xf32, #tpu.memory_space<vmem>>) dst(%dma_wait3A_420 : memref<50x128xf32, #tpu.memory_space<hbm>>)
    %dma_wait3A_428 = arith.constant 3 : i32
    %dma_wait3A_429 = arith.constant 0 : i32
    %dma_wait3A_430 = arith.constant 0 : i32
    %dma_wait3A_431 = tpu.memref_slice %arg6[%dma_wait3A_428, %dma_wait3A_429, %dma_wait3A_430] : memref<4x112x128xf32, #tpu.memory_space<vmem>> -> memref<1x112x128xf32, #tpu.memory_space<vmem>>
    %dma_wait3A_432 = tpu.memref_squeeze %dma_wait3A_431 : memref<1x112x128xf32, #tpu.memory_space<vmem>> -> memref<112x128xf32, #tpu.memory_space<vmem>>
    %dma_wait3A_433 = arith.constant 0 : i32
    %dma_wait3A_434 = arith.constant 0 : i32
    %dma_wait3A_435 = tpu.memref_slice %dma_wait3A_432[%dma_wait3A_433, %dma_wait3A_434] : memref<112x128xf32, #tpu.memory_space<vmem>> -> memref<50x128xf32, #tpu.memory_space<vmem>>
    %dma_wait3A_436 = arith.constant 0 : i32
    %dma_wait3A_437 = arith.constant 0 : i32
    %dma_wait3A_438 = tpu.memref_slice %arg4[%mul3A_2, %dma_wait3A_436, %dma_wait3A_437] : memref<16384x50x128xf32, #tpu.memory_space<hbm>> -> memref<1x50x128xf32, #tpu.memory_space<hbm>>
    %dma_wait3A_439 = tpu.memref_squeeze %dma_wait3A_438 : memref<1x50x128xf32, #tpu.memory_space<hbm>> -> memref<50x128xf32, #tpu.memory_space<hbm>>
    %dma_wait3A_440 = arith.constant 0 : i32
    %dma_wait3A_441 = arith.constant 0 : i32
    %dma_wait3A_442 = tpu.memref_slice %arg4[%mul3A_2, %dma_wait3A_440, %dma_wait3A_441] : memref<16384x50x128xf32, #tpu.memory_space<hbm>> -> memref<1x50x128xf32, #tpu.memory_space<hbm>>
    %dma_wait3A_443 = tpu.memref_squeeze %dma_wait3A_442 : memref<1x50x128xf32, #tpu.memory_space<hbm>> -> memref<50x128xf32, #tpu.memory_space<hbm>>
    %dma_wait3A_444 = arith.constant 0 : i32
    %dma_wait3A_445 = arith.constant 0 : i32
    %dma_wait3A_446 = tpu.memref_slice %arg6[%dma_wait3A_428, %dma_wait3A_444, %dma_wait3A_445] : memref<4x112x128xf32, #tpu.memory_space<vmem>> -> memref<1x112x128xf32, #tpu.memory_space<vmem>>
    %dma_wait3A_447 = tpu.memref_squeeze %dma_wait3A_446 : memref<1x112x128xf32, #tpu.memory_space<vmem>> -> memref<112x128xf32, #tpu.memory_space<vmem>>
    %dma_wait3A_448 = arith.constant 0 : i32
    %dma_wait3A_449 = arith.constant 0 : i32
    %dma_wait3A_450 = tpu.memref_slice %dma_wait3A_447[%dma_wait3A_448, %dma_wait3A_449] : memref<112x128xf32, #tpu.memory_space<vmem>> -> memref<50x128xf32, #tpu.memory_space<vmem>>
    tpu.wait_dma2 semaphore(%arg15 : memref<!tpu.dma_semaphore, #tpu.memory_space<semaphore_mem>>) src(%dma_wait3A_450 : memref<50x128xf32, #tpu.memory_space<vmem>>) dst(%dma_wait3A_443 : memref<50x128xf32, #tpu.memory_space<hbm>>)
    %dma_wait3A_451 = arith.constant 3 : i32
    %dma_wait3A_452 = arith.constant 0 : i32
    %dma_wait3A_453 = arith.constant 0 : i32
    %dma_wait3A_454 = tpu.memref_slice %arg6[%dma_wait3A_451, %dma_wait3A_452, %dma_wait3A_453] : memref<4x112x128xf32, #tpu.memory_space<vmem>> -> memref<1x112x128xf32, #tpu.memory_space<vmem>>
    %dma_wait3A_455 = tpu.memref_squeeze %dma_wait3A_454 : memref<1x112x128xf32, #tpu.memory_space<vmem>> -> memref<112x128xf32, #tpu.memory_space<vmem>>
    %dma_wait3A_456 = arith.constant 56 : i32
    %dma_wait3A_457 = arith.constant 0 : i32
    %dma_wait3A_458 = tpu.memref_slice %dma_wait3A_455[%dma_wait3A_456, %dma_wait3A_457] : memref<112x128xf32, #tpu.memory_space<vmem>> -> memref<50x128xf32, #tpu.memory_space<vmem>>
    %dma_wait3A_459 = arith.constant 0 : i32
    %dma_wait3A_460 = arith.constant 0 : i32
    %dma_wait3A_461 = tpu.memref_slice %arg4[%mul3A_2, %dma_wait3A_459, %dma_wait3A_460] : memref<16384x50x128xf32, #tpu.memory_space<hbm>> -> memref<1x50x128xf32, #tpu.memory_space<hbm>>
    %dma_wait3A_462 = tpu.memref_squeeze %dma_wait3A_461 : memref<1x50x128xf32, #tpu.memory_space<hbm>> -> memref<50x128xf32, #tpu.memory_space<hbm>>
    %dma_wait3A_463 = arith.constant 0 : i32
    %dma_wait3A_464 = arith.constant 0 : i32
    %dma_wait3A_465 = tpu.memref_slice %arg4[%mul3A_2, %dma_wait3A_463, %dma_wait3A_464] : memref<16384x50x128xf32, #tpu.memory_space<hbm>> -> memref<1x50x128xf32, #tpu.memory_space<hbm>>
    %dma_wait3A_466 = tpu.memref_squeeze %dma_wait3A_465 : memref<1x50x128xf32, #tpu.memory_space<hbm>> -> memref<50x128xf32, #tpu.memory_space<hbm>>
    %dma_wait3A_467 = arith.constant 0 : i32
    %dma_wait3A_468 = arith.constant 0 : i32
    %dma_wait3A_469 = tpu.memref_slice %arg6[%dma_wait3A_451, %dma_wait3A_467, %dma_wait3A_468] : memref<4x112x128xf32, #tpu.memory_space<vmem>> -> memref<1x112x128xf32, #tpu.memory_space<vmem>>
    %dma_wait3A_470 = tpu.memref_squeeze %dma_wait3A_469 : memref<1x112x128xf32, #tpu.memory_space<vmem>> -> memref<112x128xf32, #tpu.memory_space<vmem>>
    %dma_wait3A_471 = arith.constant 56 : i32
    %dma_wait3A_472 = arith.constant 0 : i32
    %dma_wait3A_473 = tpu.memref_slice %dma_wait3A_470[%dma_wait3A_471, %dma_wait3A_472] : memref<112x128xf32, #tpu.memory_space<vmem>> -> memref<50x128xf32, #tpu.memory_space<vmem>>
    tpu.wait_dma2 semaphore(%arg15 : memref<!tpu.dma_semaphore, #tpu.memory_space<semaphore_mem>>) src(%dma_wait3A_473 : memref<50x128xf32, #tpu.memory_space<vmem>>) dst(%dma_wait3A_466 : memref<50x128xf32, #tpu.memory_space<hbm>>)
    return
  }
}

module attributes {stable_mosaic.version = 14 : i64} {
  func.func @_mlp_table_body(%arg0: memref<312x128xf32, #tpu.memory_space<vmem>>, %arg1: memref<128x128xf32, #tpu.memory_space<vmem>>, %arg2: memref<1x128xf32, #tpu.memory_space<vmem>>, %arg3: memref<128x128xf32, #tpu.memory_space<vmem>>, %arg4: memref<1x128xf32, #tpu.memory_space<vmem>>, %arg5: memref<312x128xf32, #tpu.memory_space<vmem>>) attributes {dimension_semantics = [], scalar_prefetch = 0 : i64, scratch_operands = 0 : i64, tpu.core_type = #tpu.core_type<tc>} {
    %get3A = arith.constant 0 : index
    %get3A_0 = arith.constant 0 : index
    %get3A_1 = vector.load %arg0[%get3A, %get3A_0] : memref<312x128xf32, #tpu.memory_space<vmem>>, vector<312x128xf32>
    %get3A_2 = arith.constant 0 : index
    %get3A_3 = arith.constant 0 : index
    %get3A_4 = vector.load %arg1[%get3A_2, %get3A_3] : memref<128x128xf32, #tpu.memory_space<vmem>>, vector<128x128xf32>
    %dot_general3A = arith.constant dense<0.000000e+00> : vector<312x128xf32>
    %dot_general3A_5 = tpu.matmul %get3A_1, %get3A_4, %dot_general3A {dimension_numbers = #tpu.dot_dimension_numbers<[1], [1], [0], [0], [0, 0, 1, 0], [], []>, transpose_lhs_hint = false} : vector<312x128xf32>, vector<128x128xf32>, vector<312x128xf32> -> vector<312x128xf32>
    %get3A_6 = arith.constant 0 : index
    %get3A_7 = arith.constant 0 : index
    %get3A_8 = vector.load %arg2[%get3A_6, %get3A_7] : memref<1x128xf32, #tpu.memory_space<vmem>>, vector<1x128xf32>
    %add3A = vector.broadcast %get3A_8 : vector<1x128xf32> to vector<312x128xf32>
    %add3A_9 = arith.addf %dot_general3A_5, %add3A : vector<312x128xf32>
    %max3A = arith.constant 0.000000e+00 : f32
    %max3A_10 = vector.broadcast %max3A : f32 to vector<312x128xf32>
    %max3A_11 = arith.maximumf %add3A_9, %max3A_10 : vector<312x128xf32>
    %get3A_12 = arith.constant 0 : index
    %get3A_13 = arith.constant 0 : index
    %get3A_14 = vector.load %arg3[%get3A_12, %get3A_13] : memref<128x128xf32, #tpu.memory_space<vmem>>, vector<128x128xf32>
    %dot_general3A_15 = arith.constant dense<0.000000e+00> : vector<312x128xf32>
    %dot_general3A_16 = tpu.matmul %max3A_11, %get3A_14, %dot_general3A_15 {dimension_numbers = #tpu.dot_dimension_numbers<[1], [1], [0], [0], [0, 0, 1, 0], [], []>, transpose_lhs_hint = false} : vector<312x128xf32>, vector<128x128xf32>, vector<312x128xf32> -> vector<312x128xf32>
    %get3A_17 = arith.constant 0 : index
    %get3A_18 = arith.constant 0 : index
    %get3A_19 = vector.load %arg4[%get3A_17, %get3A_18] : memref<1x128xf32, #tpu.memory_space<vmem>>, vector<1x128xf32>
    %add3A_20 = vector.broadcast %get3A_19 : vector<1x128xf32> to vector<312x128xf32>
    %add3A_21 = arith.addf %dot_general3A_16, %add3A_20 : vector<312x128xf32>
    %swap3A = arith.constant 0 : index
    %swap3A_22 = arith.constant 0 : index
    %swap3A_23 = vector.load %arg5[%swap3A, %swap3A_22] : memref<312x128xf32, #tpu.memory_space<vmem>>, vector<312x128xf32>
    tpu.vector_store %arg5[%swap3A, %swap3A_22], %add3A_21 {strides = array<i32>} : memref<312x128xf32, #tpu.memory_space<vmem>>, vector<312x128xf32>,
    return
  }
}

</mosaic_0001>

<sc_bundles>
// kernel: kernel.4.cloned.1.call-start
scs
__scs_entry_jumppad:
0x0: {  	(pc) =	sbr.rel $0x88, $3  }
0x1: {  	(tag) =	ssettag $0x0;
	lr =	simm.s32 $0x1  }
0x2: {  	[smem:$0x3F9B] =	sst lr;
	_ =	strace $0xD0000000  }
0x3: {  	_ = 	snop  }
0x4: {  	_ = 	snop  }
0x5: {  	_ = 	snop  }
0x6: {  	_ = 	snop  }
0x7: {  	_ = 	snop  }
__scs_overlays_trampoline_lowered:
0x8: {  	[smem:$0x3FAA] =	sst s0  }
0x9: {  	[smem:$0x3FAB] =	sst s1  }
0xa: {  	[smem:$0x3FAC] =	sst s2  }
0xb: {  	[smem:$0x3FAD] =	sst s3  }
0xc: {  	[smem:$0x3FAE] =	sst s4  }
0xd: {  	[smem:$0x3FAF] =	sst s5  }
0xe: {  	[smem:$0x3FB0] =	sst s6  }
0xf: {  	[smem:$0x3FB1] =	sst s7  }
0x10: {  	[smem:$0x3FB2] =	sst s8  }
0x11: {  	[smem:$0x3FB3] =	sst s9;
	s0 =	simm.s32 @!p0 $0x0  }
0x12: {  	s1 =	sld [smem:$0x3F99];
	s0 =	simm.s32 @p0 $0x1  }
0x13: {  	[smem:$0x3FB4] =	sst s0;
	s0 =	simm.s32 @!p1 $0x0  }
0x14: {  	s2 =	sld [smem:$0x3F98];
	s0 =	simm.s32 @p1 $0x1  }
0x15: {  	[smem:$0x3FB5] =	sst s0;
	s0 =	simm.s32 @!p2 $0x0  }
0x16: {  	s3 =	sld [smem:$0x3FDB];
	s0 =	simm.s32 @p2 $0x1  }
0x17: {  	s4 =	simm.s32 $0x1BF5;
	[smem:$0x3FB7] =	sst s0  }
0x18: {  	s0 =	sld [smem:$0x3F9A];
	_ =	swait.ge [sflag:s4], $0x0  }
0x19: {  	s7 =	sld [smem:$0x3F9B]  }
0x1a: {  	s8 =	sadd.s32 $0xFFFFE003, lr  }
0x1b: {  	s9 =	sadd.s32 $0xFFFFFEF7, lr;
	s5 =	simm.s32 $0xFFFFFFFF;
	p2 =	slt.u32 s8, $0xFFFFF086  }
0x1c: {  	p1 =	slt.u32 s9, $0xF7A;
	s5 =	simm.s32 @!p2 $0x0  }
0x1d: {  	s5 =	simm.s32 @p1 $0x1;
	p0 =	seq.s32 s7, s2  }
0x1e: {  	s7 =	smul.u32 @!p0 $0xF7A, s2;
	p2 =	seq.s32 @!p0 s5, $0x0  }
0x1f: {  	s9 =	smul.u32 $0xF7A, s1;
	s8 =	simm.s32 @!p0 $0x1BF5;
	p2 =	por !p2, p0  }
0x20: {  	[sflag:s8] =	ssyncset.s32 @!p0 $0xFFFFF086;
	s6 =	sadd.s32 @!p0 s3, s7;
	s7 =	simm.s32 @!p0 $0x108  }
0x21: {  	s3 =	sadd.s32 s3, s9;
	s6 =	sadd.s32 @!p0 $0x88, s6;
	s7 =	simm.s32 @p2 $0x1082  }
0x22: {  	[simem:s7], [sflag:s8] =	dma.local @!p0 [hbm:s6], $0xF7A  }
0x23: {  	s9 =	sor.u32 $0xD0000000, s2;
	s6 =	simm.s32 $0x108;
	_ =	swait.ge @!p0 [sflag:s8], $0x0  }
0x24: {  	s3 =	sadd.s32 $0x88, s3;
	s6 =	simm.s32 @!p1 $0x1082;
	[sflag:s4] =	ssyncset.s32 $0xFFFFF086  }
0x25: {  	[simem:s6], [sflag:s4] =	dma.local [hbm:s3], $0xF7A  }
0x26: {  	[smem:$0x3F9B] =	sst s1;
	(tag) =	ssettag s2;
	_ =	strace s9  }
0x27: {  	s1 =	sld [smem:$0x3FAB]  }
0x28: {  	s2 =	sld [smem:$0x3FAC]  }
0x29: {  	s4 =	sld [smem:$0x3FAE]  }
0x2a: {  	p0 =	seq.s32 s5, $0x0;
	s5 =	sld [smem:$0x3FAF]  }
0x2b: {  	s6 =	sld [smem:$0x3FB0]  }
0x2c: {  	s7 =	sld [smem:$0x3FB1]  }
0x2d: {  	s3 =	simm.s32 $0x108;
	s8 =	sld [smem:$0x3FB2]  }
0x2e: {  	s3 =	simm.s32 @!p0 $0x1082;
	s9 =	sld [smem:$0x3FB3]  }
0x2f: {  	lr =	sadd.s32 s0, s3;
	s0 =	sld [smem:$0x3FAA]  }
0x30: {  	s3 =	sld [smem:$0x3FAD]  }
0x31: {  	[smem:$0x3FB6] =	sst s10  }
0x32: {  	s10 =	sld [smem:$0x3FB4];
	_ =	sdelay $0x3  }
0x33: {  	p0 =	seq.s32 s10, $0x1;
	s10 =	sld [smem:$0x3FB6];
	_ =	sdelay $0x3  }
0x34: {  	[smem:$0x3FB6] =	sst s10  }
0x35: {  	s10 =	sld [smem:$0x3FB5];
	_ =	sdelay $0x3  }
0x36: {  	p1 =	seq.s32 s10, $0x1;
	s10 =	sld [smem:$0x3FB6];
	_ =	sdelay $0x3  }
0x37: {  	[smem:$0x3FB6] =	sst s10  }
0x38: {  	s10 =	sld [smem:$0x3FB7]  }
0x39: {  	_ = 	snop;
	(pc) =	sbr.ind lr, $3  }
0x3a: {  	_ = 	snop  }
0x3b: {  	_ = 	snop  }
0x3c: {  	p2 =	seq.s32 s10, $0x1;
	s10 =	sld [smem:$0x3FB6]  }
0x3d: {  	_ =	shalt  }
0x3e: {  	_ =	shalt  }
0x3f: {  	_ =	shalt  }
0x40: {  	_ =	shalt  }
0x41: {  	_ =	shalt  }
0x42: {  	_ =	shalt  }
0x43: {  	_ =	shalt  }
0x44: {  	_ =	shalt  }
0x45: {  	_ =	shalt  }
0x46: {  	_ =	shalt  }
0x47: {  	_ =	shalt  }
0x48: {  	_ =	shalt  }
0x49: {  	_ =	shalt  }
0x4a: {  	_ =	shalt  }
0x4b: {  	_ =	shalt  }
0x4c: {  	_ =	shalt  }
0x4d: {  	_ =	shalt  }
0x4e: {  	_ =	shalt  }
0x4f: {  	_ =	shalt  }
0x50: {  	_ =	shalt  }
0x51: {  	_ =	shalt  }
0x52: {  	_ =	shalt  }
0x53: {  	_ =	shalt  }
0x54: {  	_ =	shalt  }
0x55: {  	_ =	shalt  }
0x56: {  	_ =	shalt  }
0x57: {  	_ =	shalt  }
0x58: {  	_ =	shalt  }
0x59: {  	_ =	shalt  }
0x5a: {  	_ =	shalt  }
0x5b: {  	_ =	shalt  }
0x5c: {  	_ =	shalt  }
0x5d: {  	_ =	shalt  }
0x5e: {  	_ =	shalt  }
0x5f: {  	_ =	shalt  }
0x60: {  	_ =	shalt  }
0x61: {  	_ =	shalt  }
0x62: {  	_ =	shalt  }
0x63: {  	_ =	shalt  }
0x64: {  	_ =	shalt  }
0x65: {  	_ =	shalt  }
0x66: {  	_ =	shalt  }
0x67: {  	_ =	shalt  }
0x68: {  	_ =	shalt  }
0x69: {  	_ =	shalt  }
0x6a: {  	_ =	shalt  }
0x6b: {  	_ =	shalt  }
0x6c: {  	_ =	shalt  }
0x6d: {  	_ =	shalt  }
0x6e: {  	_ =	shalt  }
0x6f: {  	_ =	shalt  }
0x70: {  	_ =	shalt  }
0x71: {  	_ =	shalt  }
0x72: {  	_ =	shalt  }
0x73: {  	_ =	shalt  }
0x74: {  	_ =	shalt  }
0x75: {  	_ =	shalt  }
0x76: {  	_ =	shalt  }
0x77: {  	_ =	shalt  }
0x78: {  	_ =	shalt  }
0x79: {  	_ =	shalt  }
0x7a: {  	_ =	shalt  }
0x7b: {  	_ =	shalt  }
0x7c: {  	_ =	shalt  }
0x7d: {  	_ =	shalt  }
0x7e: {  	_ =	shalt  }
0x7f: {  	_ =	shalt  }
0x80: {  	_ =	shalt  }
0x81: {  	_ =	shalt  }
0x82: {  	_ =	shalt  }
0x83: {  	_ =	shalt  }
0x84: {  	_ =	shalt  }
0x85: {  	_ =	shalt  }
0x86: {  	_ =	shalt  }
0x87: {  	_ =	shalt  }
.Lfunc_end0:
.L_simem_size_0:
called_computation_lowered:
.L_overlay_start_0:
0x88: {  	s2 =	sld [smem:$0x3FD9]  }
0x89: {  	s3 =	sld [smem:$0x3FFE];
	_ =	sdelay $0x1  }
0x8a: {  	s1 =	srdreg.scid  }
0x8b: {  	s0 =	sand.u32 $0x1, s1  }
0x8c: {  	s17 =	sshll.u32 s0, $0xA;
	s2 =	sadd.s32 s3, s2  }
0x8d: {  	s2 =	sadd.s32 s2, s17  }
0x8e: {  	[smem:$0x3FC2] =	sst s2  }
0x8f: {  	_ = 	snop  }
0x90: {  	s2 =	sld [smem:$0x3FD0];
	(tm) =	ssettm $0x1  }
0x91: {  	s18 =	sld [smem:$0x3FFB];
	_ =	sdelay $0x3  }
0x92: {  	_ =	strace s18  }
0x93: {  	s3 =	sld [smem:$0x3FFC];
	_ =	sdelay $0x3  }
0x94: {  	_ =	strace s3  }
0x95: {  	s3 =	sld [smem:$0x3FFD];
	_ =	sdelay $0x3  }
0x96: {  	_ =	strace s3  }
0x97: {  	_ =	strace $0x8FFFFFFF  }
0x98: {  	s19 =	sld [smem:$0x3FDB];
	_ =	sdelay $0x1  }
0x99: {  	s4 =	simm.s32 $_scs_section_size  }
0x9a: {  	s5 =	simm.s32 $_size__tile_overlayer_lowered;
	s6 =	simm.s32 $_tile_overlayer_lowered  }
0x9b: {  	s22 =	simm.s32 $0x1BFF;
	s21 =	sshll.u32 s6, $0x1;
	s3 =	sadd.s32 s4, s19  }
0x9c: {  	s7 =	simm.s32 $0x0;
	s20 =	sshll.u32 s5, $0x1;
	s5 =	sadd.s32 s21, s3  }
0x9d: {  	[timem:s7], [sflag:s22] =	dma.local [hbm:s5], s20  }
0x9e: {  	_ =	swait.ge [sflag:s22], s20  }
0x9f: {  	s4 =	ssub.s32 $0x0, s20;
	[sflag:s22] =	ssyncset.done $0x0  }
0xa0: {  	[sflag:s22] =	ssyncadd.s32 s4;
	_ =	sdelay $0x1  }
0xa1: {  	s23 =	simm.s32 $0x1B8B  }
0xa2: {  	_ =	swait.ge [sflag:s23], $0x1  }
0xa3: {  	[sflag:s23] =	ssyncset.done $0x0  }
0xa4: {  	s25 =	simm.s32 $0x1B8E;
	s24 =	sld [smem:$0x3FFE];
	[sflag:s23] =	ssyncadd.s32 $0xFFFFFFFF  }
0xa5: {  	s26 =	simm.s32 $execute0_lowered;
	[smem:$0x3FD2] =	sst s25  }
0xa6: {  	s5 =	sshll.u32 s26, $0x1;
	_ =	strace $0x80000046;
	[dreg:$0x1] =	wrdreg $0xFFFFFFFF  }
0xa7: {  	s28 =	simm.s32 $_size_execute0_lowered;
	s3 =	sadd.s32 s3, s5;
	[dreg:$0x0] =	wrdreg $0x0  }
0xa8: {  	s5 =	sshll.u32 s28, $0x1;
	[dreg:$0x2] =	wrdreg s3  }
0xa9: {  	[dreg:$0x3] =	wrdreg s5  }
0xaa: {  	[dreg:$0x4] =	wrdreg $0xC0  }
0xab: {  	_ =	task [dreg:s7], $0x5FFFF  }
0xac: {  	[dreg:$0x1] =	wrdreg $0xFFFFFFFF  }
0xad: {  	[dreg:$0x0] =	wrdreg $0x60  }
0xae: {  	[dreg:$0x2] =	wrdreg s24  }
0xaf: {  	[dreg:$0x3] =	wrdreg s2  }
0xb0: {  	[dreg:$0x4] =	wrdreg $0x150000  }
0xb1: {  	[dreg:$0x5] =	wrdreg $0x9  }
0xb2: {  	_ =	task.clear_ibuf [dreg:s7], $0x6FFFF;
	_ =	strace $0x90000046  }
0xb3: {  	s29 =	simm.s32 $0x9;
	_ =	strace $0x80000048  }
0xb4: {  	_ =	swait.ge [sflag:s29], $0x1  }
0xb5: {  	[sflag:s29] =	ssyncadd.s32 $0xFFFFFFFF  }
0xb6: {  	_ =	strace $0x90000048  }
0xb7: {  	_ =	sfence  }
0xb8: {  	s30 =	sld [smem:$0x0];
	_ =	sdelay $0x2  }
0xb9: {  	s31 =	sshll.u32 s1, $0xD;
	s1 =	sshrl.u32 s1, $0x2  }
0xba: {  	s3 =	sand.u32 $0x4000, s31;
	s1 =	sadd.s32 s1, s30  }
0xbb: {  	s0 =	sor.u32 s3, s0;
	s1 =	sshll.u32 s1, $0x11  }
0xbc: {  	s0 =	sor.u32 s1, s0  }
0xbd: {  	s0 =	sadd.s32 $0x8F2B, s0  }
0xbe: {  	[sflag:s0] =	ssyncadd.remote.s32 $0x1  }
0xbf: {  	_ =	sfence.sel $0xFFFF  }
0xc0: {  	[dreg:$0x0] =	wrdreg $0xFFFFFFFF;
	(pc) =	sbr.abs _section_cstart, $3  }
0xc1: {  	[dreg:$0x1] =	wrdreg $0xFFFFFFFF  }
0xc2: {  	_ =	task.clear_ibuf [dreg:s7], $0x2FFFF;
	_ =	strace $0x9FFFFFFF  }
0xc3: {  	(tm) =	ssettm $0x7FFFFFFF  }
tec
execute0_lowered:
.L_overlay_start_1:
0x0: {  	(tag) =	ssettag $0x1  }
0x1: {  	s0 =	rddreg [dreg:$0x0]  }
0x2: {  	s3 =	rddreg [dreg:$0x1]  }
0x3: {  	s1 =	rddreg [dreg:$0x2]  }
0x4: {  	s4 =	srdreg.scid;
	s5 =	stileid.u32  }
0x5: {  	s2 =	simm.s32 $0x0;
	s28 =	simm.s32 $0x3;
	s29 =	simm.s32 $0xFC00  }
0x6: {  	s30 =	simm.s32 $0x4;
	s31 =	simm.s32 $0x13400;
	s4 =	sand.u32 $0x1, s4  }
0x7: {  	s6 =	sshll.u32 s5, $0x1;
	[smem:$0x7FF] =	sst s2;
	s10 =	smul.u32 $0x700000, s5  }
0x8: {  	s7 =	sadd.s32 $0x1000, s0;
	s0 =	sadd.s32 $0x2400, s0;
	s12 =	smul.u32 $0x380000, s4  }
0x9: {  	s6 =	sor.u32 s4, s6;
	s8 =	ssub.s32 $0x2, s4;
	s4 =	smul.u32 $0x70000, s4  }
0xa: {  	p0 =	sne.s32 s5, $0x0;
	_ =	strace $0x80000047;
	s11 =	smul.u32 $0x380000, s6  }
0xb: {  	[dreg:$0x8] =	wrdreg s7;
	s6 =	smul.u32 $0xE00, s6;
	s9 =	sshrl.u32 s8, $0x1  }
0xc: {  	s13 =	ssub.s32 s8, s9;
	s18 =	sadd.s32 s12, s10;
	s7 =	sshrl.u32 s11, $0x3  }
0xd: {  	s3 =	sadd.s32 s3, s6;
	s21 =	sor.u32 $0xC400, s18;
	s24 =	sor.u32 $0x8C00, s18  }
0xe: {  	s13 =	smax.u32 s13, $0x1;
	s7 =	sadd.s32 s0, s7;
	[dreg:$0x9] =	wrdreg s3  }
0xf: {  	s6 =	sshrl.u32 s21, $0x3;
	s25 =	sshrl.u32 s24, $0x3;
	s14 =	sadd.s32 $0x6E400, s7  }
0x10: {  	s3 =	sor.u32 $0x5400, s18;
	s15 =	sadd.s32 $0x6E780, s7;
	[dreg:$0xa] =	wrdreg s14  }
0x11: {  	s18 =	simm.s32 $0xA800;
	s16 =	sadd.s32 $0x6EB00, s7;
	[dreg:$0xb] =	wrdreg s15  }
0x12: {  	s24 =	simm.s32 $0x8C00;
	s17 =	sadd.s32 $0x6EE80, s7;
	[dreg:$0xc] =	wrdreg s16  }
0x13: {  	s21 =	simm.s32 $0x7;
	s19 =	sadd.s32 $0x6F200, s7;
	[dreg:$0xd] =	wrdreg s17  }
0x14: {  	s20 =	sadd.s32 $0x6F580, s7;
	s22 =	sadd.s32 $0x6F900, s7;
	[dreg:$0xe] =	wrdreg s19  }
0x15: {  	s12 =	sadd.s32 $0x6FC80, s7;
	s6 =	sadd.s32 s6, s0;
	[dreg:$0xf] =	wrdreg s20  }
0x16: {  	s26 =	sadd.s32 s25, s0;
	s3 =	sshrl.u32 s3, $0x3;
	[dreg:$0x10] =	wrdreg s22  }
0x17: {  	s25 =	simm.s32 $0x2;
	s14 =	smul.u32 $0xE0000, s5;
	[dreg:$0x4] =	wrdreg s6  }
0x18: {  	[dreg:$0x6] =	wrdreg s26;
	s15 =	simm.s32 $0x9;
	s16 =	simm.s32 $0x70  }
0x19: {  	s17 =	simm.s32 $0x7000;
	s20 =	simm.s32 $0xE000;
	s22 =	simm.s32 $0x11800  }
0x1a: {  	s26 =	simm.s32 $0xC400;
	s19 =	simm.s32 $0x6;
	s23 =	sadd.s32 s14, s0  }
0x1b: {  	s0 =	sadd.s32 s3, s0;
	s14 =	sshrl.u32 @!p0 s1, $0x3;
	s3 =	simm.s32 $0x8  }
0x1c: {  	s4 =	sadd.s32 s4, s23;
	[dreg:$0x7] =	wrdreg s0;
	s23 =	simm.s32 $0x1  }
0x1d: {  	s0 =	simm.s32 $0x5;
	[dreg:$0x5] =	wrdreg s4;
	s4 =	simm.s32 $0x0  }
.LBB2_1:
0x1e: {  	s5 =	simm.s32 @!p0 $0x1C09;
	s6 =	rddreg [dreg:$0x8]  }
0x1f: {  	[spmem:s14], [sflag:s5] =	dma.local @!p0 [hbm:s6], $0x1380  }
0x20: {  	s5 =	simm.s32 @!p0 $0x9  }
0x21: {  	_ =	swait.ge @!p0 [sflag:s5], $0x1380  }
0x22: {  	[sflag:s5] =	ssyncset.done @!p0 $0x0  }
0x23: {  	s10 =	rddreg [dreg:$0x9];
	[sflag:s5] =	ssyncadd.s32 @!p0 $0xFFFFEC80  }
0x24: {  	[tilespmem:s2], [sflag:$0x9] =	stream.linear.gather [hbm4b:s10+s2], $0x7000, $0x38;
	[tilespmem:$0x159C0] =	vst v63  }
0x25: {  	_ =	swait.ge [sflag:s15], $0x7000  }
0x26: {  	[sflag:s15] =	ssyncset.done $0x0  }
0x27: {  	[sflag:s15] =	ssyncadd.s32 $0xFFFF9000  }
0x28: {  	[bflag:$0x0] =	sbarrier.arrive $0xFFFF  }
0x29: {  	[tilespmem:s17], [sflag:$0x1] =	stream.indirect.gather [spmem:s1], $0x80, s2, s16, $0xb8;
	[tilespmem:$0x159C0] =	vst v63  }
0x2a: {  	_ = 	snop  }
0x2b: {  	[tilespmem:s18], [sflag:$0x2] =	stream.indirect.gather [spmem:s1], $0x80, s16, s16, $0xb8;
	[tilespmem:$0x159C0] =	vst v63  }
0x2c: {  	s11 =	simm.s32 $0xE0  }
0x2d: {  	[tilespmem:s20], [sflag:$0x3] =	stream.indirect.gather [spmem:s1], $0x80, s11, s16, $0xb8;
	[tilespmem:$0x159C0] =	vst v63  }
0x2e: {  	s6 =	simm.s32 $0x150  }
0x2f: {  	[tilespmem:s22], [sflag:$0x4] =	stream.indirect.gather [spmem:s1], $0x80, s6, s16, $0xb8;
	[tilespmem:$0x159C0] =	vst v63  }
0x30: {  	_ =	swait.ge [sflag:s23], $0x3800  }
0x31: {  	s7 =	rddreg [dreg:$0x5];
	[sflag:s23] =	ssyncset.done $0x0  }
0x32: {  	[sflag:s23] =	ssyncadd.s32 $0xFFFFC800;
	s5 =	sadd.s32 $0x0, s7  }
0x33: {  	[hbm4b:s5+s2] =	stream.linear.scatter [tilespmem:s17], [sflag:$0x5], $0x1900, $0x38;
	[tilespmem:$0x159C0] =	vst v63  }
0x34: {  	s8 =	sadd.s32 $0x380, s5  }
0x35: {  	[hbm4b:s8+s2] =	stream.linear.scatter [tilespmem:s24], [sflag:$0x5], $0x1900, $0x38;
	[tilespmem:$0x159C0] =	vst v63  }
0x36: {  	_ =	swait.ge [sflag:s25], $0x3800  }
0x37: {  	[sflag:s25] =	ssyncset.done $0x0  }
0x38: {  	s7 =	sadd.s32 $0x700, s5;
	s9 =	rddreg [dreg:$0x7];
	[sflag:s25] =	ssyncadd.s32 $0xFFFFC800  }
0x39: {  	[hbm4b:s7+s2] =	stream.linear.scatter [tilespmem:s18], [sflag:$0x6], $0x1900, $0x38;
	[tilespmem:$0x159C0] =	vst v63  }
0x3a: {  	s6 =	sadd.s32 $0x0, s9  }
0x3b: {  	[hbm4b:s6+s2] =	stream.linear.scatter [tilespmem:s26], [sflag:$0x6], $0x1900, $0x38;
	[tilespmem:$0x159C0] =	vst v63  }
0x3c: {  	_ =	swait.ge [sflag:s28], $0x3800  }
0x3d: {  	[sflag:s28] =	ssyncset.done $0x0  }
0x3e: {  	s11 =	sadd.s32 $0xE00, s5;
	s10 =	rddreg [dreg:$0x6];
	[sflag:s28] =	ssyncadd.s32 $0xFFFFC800  }
0x3f: {  	[hbm4b:s11+s2] =	stream.linear.scatter [tilespmem:s20], [sflag:$0x7], $0x1900, $0x38;
	[tilespmem:$0x159C0] =	vst v63  }
0x40: {  	s6 =	sadd.s32 $0x0, s10  }
0x41: {  	[hbm4b:s6+s2] =	stream.linear.scatter [tilespmem:s29], [sflag:$0x7], $0x1900, $0x38;
	[tilespmem:$0x159C0] =	vst v63  }
0x42: {  	_ =	swait.ge [sflag:s30], $0x3800  }
0x43: {  	[sflag:s30] =	ssyncset.done $0x0  }
0x44: {  	s5 =	sadd.s32 $0x1500, s5;
	s7 =	rddreg [dreg:$0x4];
	[sflag:s30] =	ssyncadd.s32 $0xFFFFC800  }
0x45: {  	[hbm4b:s5+s2] =	stream.linear.scatter [tilespmem:s22], [sflag:$0x8], $0x1900, $0x38;
	[tilespmem:$0x159C0] =	vst v63  }
0x46: {  	s8 =	sadd.s32 $0x0, s7  }
0x47: {  	[hbm4b:s8+s2] =	stream.linear.scatter [tilespmem:s31], [sflag:$0x8], $0x1900, $0x38;
	[tilespmem:$0x159C0] =	vst v63  }
0x48: {  	_ =	swait.ge [sflag:s0], $0x1900  }
0x49: {  	[sflag:s0] =	ssyncset.done $0x0  }
0x4a: {  	[sflag:s0] =	ssyncadd.s32 $0xFFFFE700  }
0x4b: {  	_ =	swait.ge [sflag:s0], $0x1900  }
0x4c: {  	[sflag:s0] =	ssyncset.done $0x0  }
0x4d: {  	s9 =	simm.s32 $0x1C0;
	[sflag:s0] =	ssyncadd.s32 $0xFFFFE700  }
0x4e: {  	[tilespmem:s17], [sflag:$0x1] =	stream.indirect.gather [spmem:s1], $0x80, s9, s16, $0xb8;
	[tilespmem:$0x159C0] =	vst v63  }
0x4f: {  	_ =	swait.ge [sflag:s19], $0x1900  }
0x50: {  	[sflag:s19] =	ssyncset.done $0x0  }
0x51: {  	[sflag:s19] =	ssyncadd.s32 $0xFFFFE700  }
0x52: {  	_ =	swait.ge [sflag:s19], $0x1900  }
0x53: {  	[sflag:s19] =	ssyncset.done $0x0  }
0x54: {  	s10 =	simm.s32 $0x230;
	[sflag:s19] =	ssyncadd.s32 $0xFFFFE700  }
0x55: {  	[tilespmem:s18], [sflag:$0x2] =	stream.indirect.gather [spmem:s1], $0x80, s10, s16, $0xb8;
	[tilespmem:$0x159C0] =	vst v63  }
0x56: {  	_ =	swait.ge [sflag:s21], $0x1900  }
0x57: {  	[sflag:s21] =	ssyncset.done $0x0  }
0x58: {  	[sflag:s21] =	ssyncadd.s32 $0xFFFFE700  }
0x59: {  	_ =	swait.ge [sflag:s21], $0x1900  }
0x5a: {  	[sflag:s21] =	ssyncset.done $0x0  }
0x5b: {  	s11 =	simm.s32 $0x2A0;
	[sflag:s21] =	ssyncadd.s32 $0xFFFFE700  }
0x5c: {  	[tilespmem:s20], [sflag:$0x3] =	stream.indirect.gather [spmem:s1], $0x80, s11, s16, $0xb8;
	[tilespmem:$0x159C0] =	vst v63  }
0x5d: {  	_ =	swait.ge [sflag:s3], $0x1900  }
0x5e: {  	[sflag:s3] =	ssyncset.done $0x0  }
0x5f: {  	[sflag:s3] =	ssyncadd.s32 $0xFFFFE700  }
0x60: {  	_ =	swait.ge [sflag:s3], $0x1900  }
0x61: {  	s6 =	simm.s32 $0x1C00;
	[sflag:s3] =	ssyncset.done $0x0  }
0x62: {  	s7 =	simm.s32 $0x4D0;
	s5 =	simm.s32 $0x310;
	[sflag:s3] =	ssyncadd.s32 $0xFFFFE700  }
.LBB2_2:
0x63: {  	[tilespmem:s22], [sflag:$0x4] =	stream.indirect.gather [spmem:s1], $0x80, s5, s16, $0xb8;
	[tilespmem:$0x159C0] =	vst v63  }
0x64: {  	_ =	swait.ge [sflag:s23], $0x3800  }
0x65: {  	s8 =	smov.u32 s6;
	s9 =	rddreg [dreg:$0x5];
	[sflag:s23] =	ssyncset.done $0x0  }
0x66: {  	[sflag:s23] =	ssyncadd.s32 $0xFFFFC800;
	s9 =	sadd.s32 s8, s9  }
0x67: {  	[hbm4b:s9+s2] =	stream.linear.scatter [tilespmem:s17], [sflag:$0x5], $0x1900, $0x38;
	[tilespmem:$0x159C0] =	vst v63  }
0x68: {  	s10 =	sadd.s32 $0x380, s9  }
0x69: {  	[hbm4b:s10+s2] =	stream.linear.scatter [tilespmem:s24], [sflag:$0x5], $0x1900, $0x38;
	[tilespmem:$0x159C0] =	vst v63  }
0x6a: {  	_ =	swait.ge [sflag:s25], $0x3800  }
0x6b: {  	[sflag:s25] =	ssyncset.done $0x0  }
0x6c: {  	s11 =	sadd.s32 $0x700, s9;
	s10 =	rddreg [dreg:$0x7];
	[sflag:s25] =	ssyncadd.s32 $0xFFFFC800  }
0x6d: {  	[hbm4b:s11+s2] =	stream.linear.scatter [tilespmem:s18], [sflag:$0x6], $0x1900, $0x38;
	[tilespmem:$0x159C0] =	vst v63  }
0x6e: {  	s10 =	sadd.s32 s8, s10  }
0x6f: {  	[hbm4b:s10+s2] =	stream.linear.scatter [tilespmem:s26], [sflag:$0x6], $0x1900, $0x38;
	[tilespmem:$0x159C0] =	vst v63  }
0x70: {  	_ =	swait.ge [sflag:s28], $0x3800  }
0x71: {  	[sflag:s28] =	ssyncset.done $0x0  }
0x72: {  	s11 =	sadd.s32 $0xE00, s9;
	s10 =	rddreg [dreg:$0x6];
	[sflag:s28] =	ssyncadd.s32 $0xFFFFC800  }
0x73: {  	[hbm4b:s11+s2] =	stream.linear.scatter [tilespmem:s20], [sflag:$0x7], $0x1900, $0x38;
	[tilespmem:$0x159C0] =	vst v63  }
0x74: {  	s10 =	sadd.s32 s8, s10  }
0x75: {  	[hbm4b:s10+s2] =	stream.linear.scatter [tilespmem:s29], [sflag:$0x7], $0x1900, $0x38;
	[tilespmem:$0x159C0] =	vst v63  }
0x76: {  	_ =	swait.ge [sflag:s30], $0x3800  }
0x77: {  	[sflag:s30] =	ssyncset.done $0x0  }
0x78: {  	s9 =	sadd.s32 $0x1500, s9;
	s11 =	rddreg [dreg:$0x4];
	[sflag:s30] =	ssyncadd.s32 $0xFFFFC800  }
0x79: {  	[hbm4b:s9+s2] =	stream.linear.scatter [tilespmem:s22], [sflag:$0x8], $0x1900, $0x38;
	[tilespmem:$0x159C0] =	vst v63  }
0x7a: {  	s8 =	sadd.s32 s8, s11  }
0x7b: {  	[hbm4b:s8+s2] =	stream.linear.scatter [tilespmem:s31], [sflag:$0x8], $0x1900, $0x38;
	[tilespmem:$0x159C0] =	vst v63  }
0x7c: {  	_ =	swait.ge [sflag:s0], $0x1900  }
0x7d: {  	[sflag:s0] =	ssyncset.done $0x0  }
0x7e: {  	[sflag:s0] =	ssyncadd.s32 $0xFFFFE700  }
0x7f: {  	_ =	swait.ge [sflag:s0], $0x1900  }
0x80: {  	[sflag:s0] =	ssyncset.done $0x0  }
0x81: {  	s9 =	sadd.s32 $0xFFFFFEB0, s7;
	[sflag:s0] =	ssyncadd.s32 $0xFFFFE700  }
0x82: {  	[tilespmem:s17], [sflag:$0x1] =	stream.indirect.gather [spmem:s1], $0x80, s9, s16, $0xb8;
	[tilespmem:$0x159C0] =	vst v63  }
0x83: {  	_ =	swait.ge [sflag:s19], $0x1900  }
0x84: {  	[sflag:s19] =	ssyncset.done $0x0  }
0x85: {  	[sflag:s19] =	ssyncadd.s32 $0xFFFFE700  }
0x86: {  	_ =	swait.ge [sflag:s19], $0x1900  }
0x87: {  	[sflag:s19] =	ssyncset.done $0x0  }
0x88: {  	s10 =	sadd.s32 $0xFFFFFF20, s7;
	[sflag:s19] =	ssyncadd.s32 $0xFFFFE700  }
0x89: {  	[tilespmem:s18], [sflag:$0x2] =	stream.indirect.gather [spmem:s1], $0x80, s10, s16, $0xb8;
	[tilespmem:$0x159C0] =	vst v63  }
0x8a: {  	_ =	swait.ge [sflag:s21], $0x1900  }
0x8b: {  	[sflag:s21] =	ssyncset.done $0x0  }
0x8c: {  	[sflag:s21] =	ssyncadd.s32 $0xFFFFE700  }
0x8d: {  	_ =	swait.ge [sflag:s21], $0x1900  }
0x8e: {  	[sflag:s21] =	ssyncset.done $0x0  }
0x8f: {  	s11 =	sadd.s32 $0xFFFFFF90, s7;
	[sflag:s21] =	ssyncadd.s32 $0xFFFFE700  }
0x90: {  	[tilespmem:s20], [sflag:$0x3] =	stream.indirect.gather [spmem:s1], $0x80, s11, s16, $0xb8;
	[tilespmem:$0x159C0] =	vst v63  }
0x91: {  	p1 =	sne.s32 s6, $0x6C800;
	_ =	swait.ge [sflag:s3], $0x1900  }
.Ltmp0:
0x92: {  	[sflag:s3] =	ssyncset.done $0x0;
	(pc) =	sbr.rel @p1 .LBB2_2-.Ltmp0, $4  }
0x93: {  	[sflag:s3] =	ssyncadd.s32 $0xFFFFE700  }
0x94: {  	_ =	swait.ge [sflag:s3], $0x1900  }
0x95: {  	s5 =	smov.u32 s7;
	[sflag:s3] =	ssyncset.done $0x0  }
0x96: {  	s6 =	sadd.s32 $0x1C00, s6;
	s7 =	sadd.s32 $0x1C0, s7;
	[sflag:s3] =	ssyncadd.s32 $0xFFFFE700  }
0x97: {  	[tilespmem:s22], [sflag:$0x4] =	stream.indirect.gather [spmem:s1], $0x80, s5, s16, $0xb8;
	[tilespmem:$0x159C0] =	vst v63  }
0x98: {  	_ =	swait.ge [sflag:s23], $0x3800  }
0x99: {  	[sflag:s23] =	ssyncset.done $0x0  }
0x9a: {  	s11 =	rddreg [dreg:$0xa];
	[sflag:s23] =	ssyncadd.s32 $0xFFFFC800  }
0x9b: {  	[hbm4b:s11+s2] =	stream.linear.scatter [tilespmem:s17], [sflag:$0x5], $0x1900, $0x38;
	[tilespmem:$0x159C0] =	vst v63  }
0x9c: {  	s6 =	rddreg [dreg:$0xb]  }
0x9d: {  	[hbm4b:s6+s2] =	stream.linear.scatter [tilespmem:s24], [sflag:$0x5], $0x1900, $0x38;
	[tilespmem:$0x159C0] =	vst v63  }
0x9e: {  	_ =	swait.ge [sflag:s25], $0x3800  }
0x9f: {  	[sflag:s25] =	ssyncset.done $0x0  }
0xa0: {  	s7 =	rddreg [dreg:$0xc];
	[sflag:s25] =	ssyncadd.s32 $0xFFFFC800  }
0xa1: {  	[hbm4b:s7+s2] =	stream.linear.scatter [tilespmem:s18], [sflag:$0x6], $0x1900, $0x38;
	[tilespmem:$0x159C0] =	vst v63  }
0xa2: {  	s8 =	rddreg [dreg:$0xd]  }
0xa3: {  	[hbm4b:s8+s2] =	stream.linear.scatter [tilespmem:s26], [sflag:$0x6], $0x1900, $0x38;
	[tilespmem:$0x159C0] =	vst v63  }
0xa4: {  	_ =	swait.ge [sflag:s28], $0x3800  }
0xa5: {  	[sflag:s28] =	ssyncset.done $0x0  }
0xa6: {  	s9 =	rddreg [dreg:$0xe];
	[sflag:s28] =	ssyncadd.s32 $0xFFFFC800  }
0xa7: {  	[hbm4b:s9+s2] =	stream.linear.scatter [tilespmem:s20], [sflag:$0x7], $0x1900, $0x38;
	[tilespmem:$0x159C0] =	vst v63  }
0xa8: {  	s10 =	rddreg [dreg:$0xf]  }
0xa9: {  	[hbm4b:s10+s2] =	stream.linear.scatter [tilespmem:s29], [sflag:$0x7], $0x1900, $0x38;
	[tilespmem:$0x159C0] =	vst v63  }
0xaa: {  	_ =	swait.ge [sflag:s30], $0x3800  }
0xab: {  	[sflag:s30] =	ssyncset.done $0x0  }
0xac: {  	s11 =	rddreg [dreg:$0x10];
	[sflag:s30] =	ssyncadd.s32 $0xFFFFC800  }
0xad: {  	[hbm4b:s11+s2] =	stream.linear.scatter [tilespmem:s22], [sflag:$0x8], $0x1900, $0x38;
	[tilespmem:$0x159C0] =	vst v63  }
0xae: {  	_ = 	snop  }
0xaf: {  	[hbm4b:s12+s2] =	stream.linear.scatter [tilespmem:s31], [sflag:$0x8], $0x1900, $0x38;
	[tilespmem:$0x159C0] =	vst v63  }
0xb0: {  	_ =	swait.ge [sflag:s0], $0x1900  }
0xb1: {  	[sflag:s0] =	ssyncset.done $0x0  }
0xb2: {  	[sflag:s0] =	ssyncadd.s32 $0xFFFFE700  }
0xb3: {  	_ =	swait.ge [sflag:s0], $0x1900  }
0xb4: {  	[sflag:s0] =	ssyncset.done $0x0  }
0xb5: {  	[sflag:s0] =	ssyncadd.s32 $0xFFFFE700  }
0xb6: {  	_ =	swait.ge [sflag:s19], $0x1900  }
0xb7: {  	[sflag:s19] =	ssyncset.done $0x0  }
0xb8: {  	[sflag:s19] =	ssyncadd.s32 $0xFFFFE700  }
0xb9: {  	_ =	swait.ge [sflag:s19], $0x1900  }
0xba: {  	[sflag:s19] =	ssyncset.done $0x0  }
0xbb: {  	[sflag:s19] =	ssyncadd.s32 $0xFFFFE700  }
0xbc: {  	_ =	swait.ge [sflag:s21], $0x1900  }
0xbd: {  	[sflag:s21] =	ssyncset.done $0x0  }
0xbe: {  	[sflag:s21] =	ssyncadd.s32 $0xFFFFE700  }
0xbf: {  	_ =	swait.ge [sflag:s21], $0x1900  }
0xc0: {  	[sflag:s21] =	ssyncset.done $0x0  }
0xc1: {  	s4 =	sadd.s32 $0x1, s4;
	[sflag:s21] =	ssyncadd.s32 $0xFFFFE700  }
0xc2: {  	p1 =	sne.s32 s4, s13;
	_ =	swait.ge [sflag:s3], $0x1900  }
.Ltmp1:
0xc3: {  	[sflag:s3] =	ssyncset.done $0x0;
	(pc) =	sbr.rel @p1 .LBB2_1-.Ltmp1, $4  }
0xc4: {  	[sflag:s3] =	ssyncadd.s32 $0xFFFFE700  }
0xc5: {  	_ =	swait.ge [sflag:s3], $0x1900  }
0xc6: {  	[sflag:s3] =	ssyncset.done $0x0  }
0xc7: {  	[sflag:s3] =	ssyncadd.s32 $0xFFFFE700  }
0xc8: {  	_ =	sfence.sel $0x180000  }
0xc9: {  	[bflag:$0x0] =	sbarrier.arrive $0xFFFF  }
0xca: {  	_ =	strace $0x90000047  }
0xcb: {  	[bflag:$0x2] =	sbarrier.arrive $0xFFFF  }
0xcc: {  	s0 =	rddreg [dreg:$0x3]  }
0xcd: {  	s0 =	sadd.s32 @!p0 $0x100000, s0  }
0xce: {  	[sflag:s0] =	ssyncadd.tile.s32 @!p0 $0x1;
	_ =	shalt  }
.Lfunc_end2:
_tile_overlayer_lowered:
.L_overlay_start_2:
0xcf: {  	(tag) =	ssettag $0x2  }
0xd0: {  	s0 =	rddreg [dreg:$0x0];
	s2 =	stileid.u32  }
0xd1: {  	s1 =	rddreg [dreg:$0x1];
	p0 =	sne.s32 s2, $0x0  }
0xd2: {  	s3 =	rddreg [dreg:$0x2];
	[bflag:$0x3] =	sbarrier.arrive $0xFFFF;
	s2 =	simm.s32 @!p0 $0x1C09  }
0xd3: {  	[timem:s3], [sflag:s2] =	dma.local @!p0 [hbm:s0], s1  }
0xd4: {  	s0 =	simm.s32 @!p0 $0x9  }
0xd5: {  	_ =	swait.ge @!p0 [sflag:s0], s1  }
0xd6: {  	s1 =	ssub.s32 @!p0 $0x0, s1;
	[sflag:s0] =	ssyncset.done @!p0 $0x0  }
0xd7: {  	[sflag:s0] =	ssyncadd.s32 @!p0 s1  }
0xd8: {  	[bflag:$0x3] =	sbarrier.arrive $0xFFFF  }
0xd9: {  	_ =	shalt  }

</sc_bundles>
